<compile_context>
chip_gen: v7x
topology: tpu7x:2x2x1
jax: 0.10.2.dev20260603
libtpu: 0.0.44.dev20260713+nightly
codegen_flags: <defaults>
</compile_context>

<pallas_src>
import functools

import jax
import jax.numpy as jnp
from jax import lax
from jax.experimental import pallas as pl
from jax.experimental.pallas import tpu as pltpu
from jax.experimental.pallas import tpu_sc as plsc

NUM_CLASS = 512
NUM_EMB = 8192
EMB_DIM = 64
TOP_K = 3
COMMITMENT = 0.25
T_PLUS_1 = 129
B = 32

_IDX_PAD = 128


def _vq_body(x_ref, w_ref, w2_ref, idx_ref, dsum_ref, counts_ref,
             *, n_codes, offset):
    i = pl.program_id(0)
    x = x_ref[...]
    w = w_ref[...]
    w2 = w2_ref[...]
    r = x.shape[0]

    x2 = jnp.sum(x * x, axis=1, keepdims=True)
    xw2 = lax.dot_general(x * -2.0, w, (((1,), (1,)), ((), ())),
                          preferred_element_type=jnp.float32,
                          precision=lax.Precision.DEFAULT)
    d = (x2 + w2) + xw2

    colf = lax.broadcasted_iota(jnp.int32, (r, n_codes), 1).astype(jnp.float32)
    lane = lax.broadcasted_iota(jnp.int32, (r, _IDX_PAD), 1)
    inf = jnp.float32(jnp.inf)
    bigf = jnp.float32(n_codes)

    idx_out = jnp.zeros((r, _IDX_PAD), jnp.int32)
    dsum = jnp.zeros((r, 1), jnp.float32)
    for k in range(TOP_K):
        mv = jnp.min(d, axis=1, keepdims=True)
        ikf = jnp.min(jnp.where(d == mv, colf, bigf), axis=1,
                      keepdims=True)
        d = jnp.where(colf == ikf, inf, d)
        ik = ikf.astype(jnp.int32)
        idx_out = jnp.where(lane == k, ik + offset, idx_out)
        dsum = dsum + mv

    idx_ref[...] = idx_out
    counts_part = jnp.sum(jnp.where(d == inf, 1.0, 0.0), axis=0,
                          keepdims=True)

    @pl.when(i == 0)
    def _init():
        dsum_ref[...] = jnp.zeros_like(dsum_ref)
        counts_ref[...] = jnp.zeros_like(counts_ref)

    dsum_ref[...] += jnp.sum(dsum)[None, None]
    counts_ref[...] += counts_part


def _vq_topk(x, w, w2, *, block_rows, offset, interpret=False):
    n, c = x.shape[0], w.shape[0]
    grid = n // block_rows
    body = functools.partial(_vq_body, n_codes=c, offset=offset)
    return pl.pallas_call(
        body,
        grid=(grid,),
        in_specs=[
            pl.BlockSpec((block_rows, EMB_DIM), lambda i: (i, 0)),
            pl.BlockSpec((c, EMB_DIM), lambda i: (0, 0)),
            pl.BlockSpec((1, c), lambda i: (0, 0)),
        ],
        out_specs=[
            pl.BlockSpec((block_rows, _IDX_PAD), lambda i: (i, 0)),
            pl.BlockSpec((1, 1), lambda i: (0, 0)),
            pl.BlockSpec((1, c), lambda i: (0, 0)),
        ],
        out_shape=[
            jax.ShapeDtypeStruct((n, _IDX_PAD), jnp.int32),
            jax.ShapeDtypeStruct((1, 1), jnp.float32),
            jax.ShapeDtypeStruct((1, c), jnp.float32),
        ],
        interpret=interpret,
    )(x, w, w2)


def _finish_body(counts_f_ref, counts_c_ref, dsum_f_ref, dsum_c_ref,
                 loss_ref, fperp_ref, cperp_ref):
    n_f = jnp.float32((T_PLUS_1 - 1) * B)
    n_c = jnp.float32(B)
    mean_f = dsum_f_ref[0, 0] / (n_f * TOP_K * EMB_DIM)
    mean_c = dsum_c_ref[0, 0] / (n_c * TOP_K * EMB_DIM)
    loss = (mean_f + COMMITMENT * mean_f) + (mean_c + COMMITMENT * mean_c)
    loss_ref[...] = loss[None, None]

    p_f = counts_f_ref[...] / n_f
    p_c = counts_c_ref[...] / n_c
    ent_f = jnp.sum(p_f * jnp.log(p_f + 1e-10))
    ent_c = jnp.sum(p_c * jnp.log(p_c + 1e-10))
    fperp_ref[...] = jnp.exp(-ent_f)[None, None]
    cperp_ref[...] = jnp.exp(-ent_c)[None, None]


def _finish(counts_f, counts_c, dsum_f, dsum_c, interpret=False):
    return pl.pallas_call(
        _finish_body,
        out_shape=[
            jax.ShapeDtypeStruct((1, 1), jnp.float32),
            jax.ShapeDtypeStruct((1, 1), jnp.float32),
            jax.ShapeDtypeStruct((1, 1), jnp.float32),
        ],
        interpret=interpret,
    )(counts_f, counts_c, dsum_f, dsum_c)


_GATHER_PAD = 16384
_CHUNK = 128
_ROW_PAD = 128
_PAIRS = (NUM_CLASS + NUM_EMB) // 2
_HALF = _PAIRS // 2


def _sc_gather(table2, idx_lo2, idx_hi2):
    info = plsc.get_sparse_core_info()
    ns = info.num_subcores
    rows_per_w = _GATHER_PAD // ns
    n_chunks = rows_per_w // _CHUNK
    wave = n_chunks // 2
    stripe = _HALF // ns
    mesh = plsc.VectorSubcoreMesh(core_axis_name="c", subcore_axis_name="s")

    @functools.partial(
        pl.kernel, mesh=mesh,
        out_type=[jax.ShapeDtypeStruct((_GATHER_PAD, _ROW_PAD), jnp.float32),
                  jax.ShapeDtypeStruct((_GATHER_PAD, _ROW_PAD), jnp.float32)],
        scratch_types=[
            pltpu.VMEM((n_chunks, _CHUNK), jnp.int32),
            pltpu.VMEM((wave * _CHUNK, _ROW_PAD), jnp.float32),
            pltpu.VMEM((stripe, _ROW_PAD), jnp.float32),
            pltpu.VMEM_SHARED((_HALF, _ROW_PAD), jnp.float32),
            pltpu.SemaphoreType.DMA,
        ],
    )
    def gk(t_hbm, ilo_hbm, ihi_hbm, out0_hbm, out1_hbm,
           idx_v, rows_v, stage_v, tsh, sem):
        cid = lax.axis_index("c")
        sid = lax.axis_index("s")
        pltpu.sync_copy(t_hbm.at[pl.ds(cid * _HALF + sid * stripe, stripe)],
                        stage_v)
        pltpu.sync_copy(stage_v, tsh.at[pl.ds(sid * stripe, stripe)])

        @pl.when(cid == 0)
        def _i0():
            pltpu.sync_copy(ilo_hbm.at[pl.ds(sid * n_chunks, n_chunks)], idx_v)

        @pl.when(cid == 1)
        def _i1():
            pltpu.sync_copy(ihi_hbm.at[pl.ds(sid * n_chunks, n_chunks)], idx_v)

        plsc.subcore_barrier()

        for w in range(2):
            cps = [pltpu.async_copy(tsh.at[idx_v.at[w * wave + c]],
                                    rows_v.at[pl.ds(c * _CHUNK, _CHUNK)], sem)
                   for c in range(wave)]
            for cp in cps:
                cp.wait()
            off = sid * rows_per_w + w * wave * _CHUNK

            @pl.when(cid == 0)
            def _w0():
                pltpu.sync_copy(rows_v, out0_hbm.at[pl.ds(off, wave * _CHUNK)])

            @pl.when(cid == 1)
            def _w1():
                pltpu.sync_copy(rows_v, out1_hbm.at[pl.ds(off, wave * _CHUNK)])

    return gk(table2, idx_lo2, idx_hi2)


def kernel(features, class_codebook, feature_codebook):
    xc = features[0]
    xf = features[1:].reshape(-1, EMB_DIM)
    w2f = jnp.sum(feature_codebook * feature_codebook, axis=1)[None]
    w2c = jnp.sum(class_codebook * class_codebook, axis=1)[None]

    idx_f_pad, dsum_f, counts_f = _vq_topk(
        xf, feature_codebook, w2f, block_rows=512, offset=NUM_CLASS)
    idx_c_pad, dsum_c, counts_c = _vq_topk(
        xc, class_codebook, w2c, block_rows=32, offset=0)

    loss, fperp, cperp = _finish(counts_f, counts_c, dsum_f, dsum_c)

    enc = jnp.concatenate(
        [idx_c_pad[:, :TOP_K].reshape(1, B, TOP_K),
         idx_f_pad[:, :TOP_K].reshape(T_PLUS_1 - 1, B, TOP_K)], axis=0)

    table2 = jnp.concatenate([class_codebook, feature_codebook],
                             axis=0).reshape(_PAIRS, _ROW_PAD)
    flat_idx = enc.reshape(-1)
    flat_idx = jnp.concatenate(
        [flat_idx,
         jnp.zeros((_GATHER_PAD - flat_idx.shape[0],), jnp.int32)])
    pair_idx = flat_idx >> 1
    idx_lo = jnp.minimum(pair_idx, _HALF - 1)
    idx_hi = jnp.clip(pair_idx - _HALF, 0, _HALF - 1)
    out0, out1 = _sc_gather(table2,
                            idx_lo.reshape(_GATHER_PAD // _CHUNK, _CHUNK),
                            idx_hi.reshape(_GATHER_PAD // _CHUNK, _CHUNK))
    n_real = T_PLUS_1 * B * TOP_K
    sel_hi = (pair_idx[:n_real] >= _HALF)[:, None]
    odd = (flat_idx[:n_real] & 1)[:, None] == 1
    q = jnp.where(
        sel_hi,
        jnp.where(odd, out1[:n_real, EMB_DIM:], out1[:n_real, :EMB_DIM]),
        jnp.where(odd, out0[:n_real, EMB_DIM:], out0[:n_real, :EMB_DIM]))
    q = q.reshape(T_PLUS_1, B, TOP_K, EMB_DIM)

    return (loss.reshape(()), q, fperp.reshape(()), cperp.reshape(()), enc)

# --- scband reference (transcript-rebuilt; emitter-appended) ---
"""Pipeline reference for scband-feature-quantizer-78108275245194 (READ-ONLY COPY).

The authoritative reference and input builder live on the scoring server;
editing this copy changes nothing except your own understanding.
"""

import jax, jax.numpy as jnp
import numpy as np

NUM_CLASS = 512
NUM_EMB = 8192
EMB_DIM = 64
TOP_K = 3
COMMITMENT = 0.25
T_PLUS_1 = 129
B = 32


def setup_inputs(seed: int = 0) -> dict:
    key = jax.random.key(seed)
    k1, k2, k3 = jax.random.split(key, 3)
    features = jax.random.normal(k1, (T_PLUS_1, B, EMB_DIM), dtype=jnp.float32)
    class_codebook = jax.random.normal(k2, (NUM_CLASS, EMB_DIM), dtype=jnp.float32)
    feature_codebook = jax.random.normal(k3, (NUM_EMB, EMB_DIM), dtype=jnp.float32)
    return {"features": features, "class_codebook": class_codebook, "feature_codebook": feature_codebook}


def _vq_forward(inputs, codebook, num_embeddings, top_k, commitment_cost):
    input_shape = inputs.shape
    c = inputs.shape[-1]
    flat_input = inputs.reshape(-1, c)
    W = codebook[:num_embeddings]
    distances = (jnp.sum(flat_input ** 2, axis=1, keepdims=True)
                 + jnp.sum(W ** 2, axis=1)
                 - 2.0 * (flat_input @ W.T))
    # top-k smallest distances == top_k largest of -distances
    _, encoding_indices = jax.lax.top_k(-distances, top_k)
    n = flat_input.shape[0]
    encodings = jnp.zeros((n, num_embeddings), dtype=flat_input.dtype)
    encodings = encodings.at[jnp.arange(n)[:, None], encoding_indices].set(1.0)
    quantized = jnp.take(W, encoding_indices, axis=0)  # (n, k, c)
    quantized = quantized.reshape(input_shape[0], -1, top_k, c)  # (b, t, k, c)
    inputs_rep = jnp.broadcast_to(inputs[:, :, None, :], quantized.shape)
    e_latent_loss = jnp.mean((jax.lax.stop_gradient(quantized) - inputs_rep) ** 2)
    q_latent_loss = jnp.mean((quantized - jax.lax.stop_gradient(inputs_rep)) ** 2)
    loss = q_latent_loss + commitment_cost * e_latent_loss
    quantized_st = inputs_rep + jax.lax.stop_gradient(quantized - inputs_rep)
    avg_probs = jnp.mean(encodings, axis=0)
    perplexity = jnp.exp(-jnp.sum(avg_probs * jnp.log(avg_probs + 1e-10)))
    idx_r = encoding_indices.reshape(quantized_st.shape[:3])
    dist_r = distances.reshape(quantized_st.shape[0], quantized_st.shape[1], -1)
    return loss, quantized_st, perplexity, idx_r, dist_r


def reference(features, class_codebook, feature_codebook):
    class_vq_loss, q_class, class_perp, class_idx, class_dist = _vq_forward(
        features[0][None], class_codebook, NUM_CLASS, TOP_K, COMMITMENT)
    feature_vq_loss, q_feat, feat_perp, feat_idx, feat_dist = _vq_forward(
        features[1:], feature_codebook, NUM_EMB, TOP_K, COMMITMENT)
    class_idx = class_idx.reshape(q_class.shape[:3])
    feat_idx = (feat_idx + NUM_CLASS).reshape(q_feat.shape[:3])
    fmax = jnp.finfo(jnp.float32).max
    class_dist_full = jnp.concatenate(
        [class_dist, jnp.full((class_dist.shape[0], class_dist.shape[1], NUM_EMB), fmax, dtype=jnp.float32)], axis=-1)
    feat_dist_full = jnp.concatenate(
        [jnp.full((feat_dist.shape[0], feat_dist.shape[1], NUM_CLASS), fmax, dtype=jnp.float32), feat_dist], axis=-1)
    distances = jnp.concatenate([class_dist_full, feat_dist_full], axis=0)  # computed as in original (unused when return_distances=False)
    encoding_indices = jnp.concatenate([class_idx, feat_idx], axis=0)
    quantized_features = jnp.concatenate([q_class, q_feat], axis=0)
    return (feature_vq_loss + class_vq_loss, quantized_features, feat_perp, class_perp, encoding_indices)

if __name__ == "__main__":
    import jax
    _d = setup_inputs()
    print(jax.jit(kernel)(*tuple(_d.values())))

</pallas_src>

<mosaic_0001>
#map = affine_map<(d0, d1) -> (0, 0)>
module attributes {stable_mosaic.version = 14 : i64} {
  func.func @gk(%arg0: i32, %arg1: i32, %arg2: memref<4352x128xf32, #tpu.memory_space<hbm>>, %arg3: memref<128x128xi32, #tpu.memory_space<hbm>>, %arg4: memref<128x128xi32, #tpu.memory_space<hbm>>, %arg5: memref<16384x128xf32, #tpu.memory_space<hbm>>, %arg6: memref<16384x128xf32, #tpu.memory_space<hbm>>, %arg7: memref<8x128xi32, #tpu.memory_space<vmem>>, %arg8: memref<512x128xf32, #tpu.memory_space<vmem>>, %arg9: memref<136x128xf32, #tpu.memory_space<vmem>>, %arg10: memref<2176x128xf32, #tpu.memory_space<vmem_shared>>, %arg11: memref<!tpu.dma_semaphore, #tpu.memory_space<semaphore_mem>>) attributes {dimension_semantics = [#tpu.dimension_semantics<core_parallel>, #tpu.dimension_semantics<subcore_parallel>], iteration_bounds = array<i64: 2, 16>, scalar_prefetch = 0 : i64, scratch_operands = 5 : i64, tpu.core_type = #tpu.core_type<sc_vector_subcore>, window_params = [{transform_indices = #map}, {transform_indices = #map}, {transform_indices = #map}, {transform_indices = #map}, {transform_indices = #map}]} {
    %mul3A = arith.constant 2176 : i32
    %mul3A_0 = arith.muli %arg0, %mul3A : i32
    %mul3A_1 = arith.constant 136 : i32
    %mul3A_2 = arith.muli %arg1, %mul3A_1 : i32
    %add3A = arith.addi %mul3A_0, %mul3A_2 : i32
    "tpu.region"() ({
      %run_scoped3A = tpu.sem_alloc : memref<!tpu.dma_semaphore, #tpu.memory_space<semaphore_mem>>
      %dma_start3A_198 = arith.constant 0 : i32
      %dma_start3A_199 = tpu.memref_slice %arg2[%add3A, %dma_start3A_198] : memref<4352x128xf32, #tpu.memory_space<hbm>> -> memref<136x128xf32, #tpu.memory_space<hbm>>
      %dma_start3A_200 = arith.constant 0 : i32
      %dma_start3A_201 = tpu.memref_slice %arg2[%add3A, %dma_start3A_200] : memref<4352x128xf32, #tpu.memory_space<hbm>> -> memref<136x128xf32, #tpu.memory_space<hbm>>
      tpu.enqueue_dma source(%dma_start3A_201 : memref<136x128xf32, #tpu.memory_space<hbm>>) target(%arg9 : memref<136x128xf32, #tpu.memory_space<vmem>>) target_semaphore(%run_scoped3A : memref<!tpu.dma_semaphore, #tpu.memory_space<semaphore_mem>>)
      %dma_wait3A_202 = arith.constant 0 : i32
      %dma_wait3A_203 = tpu.memref_slice %arg2[%add3A, %dma_wait3A_202] : memref<4352x128xf32, #tpu.memory_space<hbm>> -> memref<136x128xf32, #tpu.memory_space<hbm>>
      %dma_wait3A_204 = arith.constant 0 : i32
      %dma_wait3A_205 = tpu.memref_slice %arg2[%add3A, %dma_wait3A_204] : memref<4352x128xf32, #tpu.memory_space<hbm>> -> memref<136x128xf32, #tpu.memory_space<hbm>>
      tpu.wait_dma2 semaphore(%run_scoped3A : memref<!tpu.dma_semaphore, #tpu.memory_space<semaphore_mem>>) src(%dma_wait3A_205 : memref<136x128xf32, #tpu.memory_space<hbm>>) dst(%arg9 : memref<136x128xf32, #tpu.memory_space<vmem>>)
      tpu.yield
    }) : () -> ()
    %mul3A_3 = arith.constant 136 : i32
    %mul3A_4 = arith.muli %arg1, %mul3A_3 : i32
    "tpu.region"() ({
      %run_scoped3A = tpu.sem_alloc : memref<!tpu.dma_semaphore, #tpu.memory_space<semaphore_mem>>
      %dma_start3A_198 = arith.constant 0 : i32
      %dma_start3A_199 = tpu.memref_slice %arg10[%mul3A_4, %dma_start3A_198] : memref<2176x128xf32, #tpu.memory_space<vmem_shared>> -> memref<136x128xf32, #tpu.memory_space<vmem_shared>>
      %dma_start3A_200 = arith.constant 0 : i32
      %dma_start3A_201 = tpu.memref_slice %arg10[%mul3A_4, %dma_start3A_200] : memref<2176x128xf32, #tpu.memory_space<vmem_shared>> -> memref<136x128xf32, #tpu.memory_space<vmem_shared>>
      tpu.enqueue_dma source(%arg9 : memref<136x128xf32, #tpu.memory_space<vmem>>) target(%dma_start3A_201 : memref<136x128xf32, #tpu.memory_space<vmem_shared>>) target_semaphore(%run_scoped3A : memref<!tpu.dma_semaphore, #tpu.memory_space<semaphore_mem>>)
      %dma_wait3A_202 = arith.constant 0 : i32
      %dma_wait3A_203 = tpu.memref_slice %arg10[%mul3A_4, %dma_wait3A_202] : memref<2176x128xf32, #tpu.memory_space<vmem_shared>> -> memref<136x128xf32, #tpu.memory_space<vmem_shared>>
      %dma_wait3A_204 = arith.constant 0 : i32
      %dma_wait3A_205 = tpu.memref_slice %arg10[%mul3A_4, %dma_wait3A_204] : memref<2176x128xf32, #tpu.memory_space<vmem_shared>> -> memref<136x128xf32, #tpu.memory_space<vmem_shared>>
      tpu.wait_dma2 semaphore(%run_scoped3A : memref<!tpu.dma_semaphore, #tpu.memory_space<semaphore_mem>>) src(%arg9 : memref<136x128xf32, #tpu.memory_space<vmem>>) dst(%dma_wait3A_205 : memref<136x128xf32, #tpu.memory_space<vmem_shared>>)
      tpu.yield
    }) : () -> ()
    %eq3A = arith.constant 0 : i32
    %eq3A_5 = arith.cmpi eq, %arg0, %eq3A : i32
    %convert_element_type3A = arith.extui %eq3A_5 : i1 to i32
    %cond3A = arith.constant 0 : i32
    %cond3A_6 = arith.cmpi ne, %convert_element_type3A, %cond3A : i32
    scf.if %cond3A_6 {
      %mul3A_198 = arith.constant 8 : i32
      %mul3A_199 = arith.muli %arg1, %mul3A_198 : i32
      "tpu.region"() ({
        %run_scoped3A = tpu.sem_alloc : memref<!tpu.dma_semaphore, #tpu.memory_space<semaphore_mem>>
        %dma_start3A_200 = arith.constant 0 : i32
        %dma_start3A_201 = tpu.memref_slice %arg3[%mul3A_199, %dma_start3A_200] : memref<128x128xi32, #tpu.memory_space<hbm>> -> memref<8x128xi32, #tpu.memory_space<hbm>>
        %dma_start3A_202 = arith.constant 0 : i32
        %dma_start3A_203 = tpu.memref_slice %arg3[%mul3A_199, %dma_start3A_202] : memref<128x128xi32, #tpu.memory_space<hbm>> -> memref<8x128xi32, #tpu.memory_space<hbm>>
        tpu.enqueue_dma source(%dma_start3A_203 : memref<8x128xi32, #tpu.memory_space<hbm>>) target(%arg7 : memref<8x128xi32, #tpu.memory_space<vmem>>) target_semaphore(%run_scoped3A : memref<!tpu.dma_semaphore, #tpu.memory_space<semaphore_mem>>)
        %dma_wait3A_204 = arith.constant 0 : i32
        %dma_wait3A_205 = tpu.memref_slice %arg3[%mul3A_199, %dma_wait3A_204] : memref<128x128xi32, #tpu.memory_space<hbm>> -> memref<8x128xi32, #tpu.memory_space<hbm>>
        %dma_wait3A_206 = arith.constant 0 : i32
        %dma_wait3A_207 = tpu.memref_slice %arg3[%mul3A_199, %dma_wait3A_206] : memref<128x128xi32, #tpu.memory_space<hbm>> -> memref<8x128xi32, #tpu.memory_space<hbm>>
        tpu.wait_dma2 semaphore(%run_scoped3A : memref<!tpu.dma_semaphore, #tpu.memory_space<semaphore_mem>>) src(%dma_wait3A_207 : memref<8x128xi32, #tpu.memory_space<hbm>>) dst(%arg7 : memref<8x128xi32, #tpu.memory_space<vmem>>)
        tpu.yield
      }) : () -> ()
    } else {
    }
    %eq3A_7 = arith.constant 1 : i32
    %eq3A_8 = arith.cmpi eq, %arg0, %eq3A_7 : i32
    %convert_element_type3A_9 = arith.extui %eq3A_8 : i1 to i32
    %cond3A_10 = arith.constant 0 : i32
    %cond3A_11 = arith.cmpi ne, %convert_element_type3A_9, %cond3A_10 : i32
    scf.if %cond3A_11 {
      %mul3A_198 = arith.constant 8 : i32
      %mul3A_199 = arith.muli %arg1, %mul3A_198 : i32
      "tpu.region"() ({
        %run_scoped3A = tpu.sem_alloc : memref<!tpu.dma_semaphore, #tpu.memory_space<semaphore_mem>>
        %dma_start3A_200 = arith.constant 0 : i32
        %dma_start3A_201 = tpu.memref_slice %arg4[%mul3A_199, %dma_start3A_200] : memref<128x128xi32, #tpu.memory_space<hbm>> -> memref<8x128xi32, #tpu.memory_space<hbm>>
        %dma_start3A_202 = arith.constant 0 : i32
        %dma_start3A_203 = tpu.memref_slice %arg4[%mul3A_199, %dma_start3A_202] : memref<128x128xi32, #tpu.memory_space<hbm>> -> memref<8x128xi32, #tpu.memory_space<hbm>>
        tpu.enqueue_dma source(%dma_start3A_203 : memref<8x128xi32, #tpu.memory_space<hbm>>) target(%arg7 : memref<8x128xi32, #tpu.memory_space<vmem>>) target_semaphore(%run_scoped3A : memref<!tpu.dma_semaphore, #tpu.memory_space<semaphore_mem>>)
        %dma_wait3A_204 = arith.constant 0 : i32
        %dma_wait3A_205 = tpu.memref_slice %arg4[%mul3A_199, %dma_wait3A_204] : memref<128x128xi32, #tpu.memory_space<hbm>> -> memref<8x128xi32, #tpu.memory_space<hbm>>
        %dma_wait3A_206 = arith.constant 0 : i32
        %dma_wait3A_207 = tpu.memref_slice %arg4[%mul3A_199, %dma_wait3A_206] : memref<128x128xi32, #tpu.memory_space<hbm>> -> memref<8x128xi32, #tpu.memory_space<hbm>>
        tpu.wait_dma2 semaphore(%run_scoped3A : memref<!tpu.dma_semaphore, #tpu.memory_space<semaphore_mem>>) src(%dma_wait3A_207 : memref<8x128xi32, #tpu.memory_space<hbm>>) dst(%arg7 : memref<8x128xi32, #tpu.memory_space<vmem>>)
        tpu.yield
      }) : () -> ()
    } else {
    }
    %barrier3A = arith.constant 0 : index
    tpu.barrier barrier_id(%barrier3A)
    %dma_start3A = arith.constant 0 : i32
    %dma_start3A_12 = arith.constant 0 : i32
    %dma_start3A_13 = arith.constant 0 : i32
    %dma_start3A_14 = tpu.memref_slice %arg8[%dma_start3A_12, %dma_start3A_13] : memref<512x128xf32, #tpu.memory_space<vmem>> -> memref<128x128xf32, #tpu.memory_space<vmem>>
    %dma_start3A_15 = arith.constant 0 : i32
    %dma_start3A_16 = tpu.memref_slice %arg7[%dma_start3A, %dma_start3A_15] : memref<8x128xi32, #tpu.memory_space<vmem>> -> memref<1x128xi32, #tpu.memory_space<vmem>>
    %dma_start3A_17 = tpu.memref_squeeze %dma_start3A_16 : memref<1x128xi32, #tpu.memory_space<vmem>> -> memref<128xi32, #tpu.memory_space<vmem>>
    %dma_start3A_18 = arith.constant 0 : i32
    %dma_start3A_19 = arith.constant 0 : i32
    %dma_start3A_20 = tpu.memref_slice %arg10[%dma_start3A_18, %dma_start3A_19] : memref<2176x128xf32, #tpu.memory_space<vmem_shared>> -> memref<2176x128xf32, #tpu.memory_space<vmem_shared>>
    tpu.enqueue_indirect_dma source(%dma_start3A_20 : memref<2176x128xf32, #tpu.memory_space<vmem_shared>>) target(%dma_start3A_14 : memref<128x128xf32, #tpu.memory_space<vmem>>) offsets(%dma_start3A_17 : memref<128xi32, #tpu.memory_space<vmem>>) semaphore(%arg11 : memref<!tpu.dma_semaphore, #tpu.memory_space<semaphore_mem>>)
    %dma_start3A_21 = arith.constant 1 : i32
    %dma_start3A_22 = arith.constant 128 : i32
    %dma_start3A_23 = arith.constant 0 : i32
    %dma_start3A_24 = tpu.memref_slice %arg8[%dma_start3A_22, %dma_start3A_23] : memref<512x128xf32, #tpu.memory_space<vmem>> -> memref<128x128xf32, #tpu.memory_space<vmem>>
    %dma_start3A_25 = arith.constant 0 : i32
    %dma_start3A_26 = tpu.memref_slice %arg7[%dma_start3A_21, %dma_start3A_25] : memref<8x128xi32, #tpu.memory_space<vmem>> -> memref<1x128xi32, #tpu.memory_space<vmem>>
    %dma_start3A_27 = tpu.memref_squeeze %dma_start3A_26 : memref<1x128xi32, #tpu.memory_space<vmem>> -> memref<128xi32, #tpu.memory_space<vmem>>
    %dma_start3A_28 = arith.constant 0 : i32
    %dma_start3A_29 = arith.constant 0 : i32
    %dma_start3A_30 = tpu.memref_slice %arg10[%dma_start3A_28, %dma_start3A_29] : memref<2176x128xf32, #tpu.memory_space<vmem_shared>> -> memref<2176x128xf32, #tpu.memory_space<vmem_shared>>
    tpu.enqueue_indirect_dma source(%dma_start3A_30 : memref<2176x128xf32, #tpu.memory_space<vmem_shared>>) target(%dma_start3A_24 : memref<128x128xf32, #tpu.memory_space<vmem>>) offsets(%dma_start3A_27 : memref<128xi32, #tpu.memory_space<vmem>>) semaphore(%arg11 : memref<!tpu.dma_semaphore, #tpu.memory_space<semaphore_mem>>)
    %dma_start3A_31 = arith.constant 2 : i32
    %dma_start3A_32 = arith.constant 256 : i32
    %dma_start3A_33 = arith.constant 0 : i32
    %dma_start3A_34 = tpu.memref_slice %arg8[%dma_start3A_32, %dma_start3A_33] : memref<512x128xf32, #tpu.memory_space<vmem>> -> memref<128x128xf32, #tpu.memory_space<vmem>>
    %dma_start3A_35 = arith.constant 0 : i32
    %dma_start3A_36 = tpu.memref_slice %arg7[%dma_start3A_31, %dma_start3A_35] : memref<8x128xi32, #tpu.memory_space<vmem>> -> memref<1x128xi32, #tpu.memory_space<vmem>>
    %dma_start3A_37 = tpu.memref_squeeze %dma_start3A_36 : memref<1x128xi32, #tpu.memory_space<vmem>> -> memref<128xi32, #tpu.memory_space<vmem>>
    %dma_start3A_38 = arith.constant 0 : i32
    %dma_start3A_39 = arith.constant 0 : i32
    %dma_start3A_40 = tpu.memref_slice %arg10[%dma_start3A_38, %dma_start3A_39] : memref<2176x128xf32, #tpu.memory_space<vmem_shared>> -> memref<2176x128xf32, #tpu.memory_space<vmem_shared>>
    tpu.enqueue_indirect_dma source(%dma_start3A_40 : memref<2176x128xf32, #tpu.memory_space<vmem_shared>>) target(%dma_start3A_34 : memref<128x128xf32, #tpu.memory_space<vmem>>) offsets(%dma_start3A_37 : memref<128xi32, #tpu.memory_space<vmem>>) semaphore(%arg11 : memref<!tpu.dma_semaphore, #tpu.memory_space<semaphore_mem>>)
    %dma_start3A_41 = arith.constant 3 : i32
    %dma_start3A_42 = arith.constant 384 : i32
    %dma_start3A_43 = arith.constant 0 : i32
    %dma_start3A_44 = tpu.memref_slice %arg8[%dma_start3A_42, %dma_start3A_43] : memref<512x128xf32, #tpu.memory_space<vmem>> -> memref<128x128xf32, #tpu.memory_space<vmem>>
    %dma_start3A_45 = arith.constant 0 : i32
    %dma_start3A_46 = tpu.memref_slice %arg7[%dma_start3A_41, %dma_start3A_45] : memref<8x128xi32, #tpu.memory_space<vmem>> -> memref<1x128xi32, #tpu.memory_space<vmem>>
    %dma_start3A_47 = tpu.memref_squeeze %dma_start3A_46 : memref<1x128xi32, #tpu.memory_space<vmem>> -> memref<128xi32, #tpu.memory_space<vmem>>
    %dma_start3A_48 = arith.constant 0 : i32
    %dma_start3A_49 = arith.constant 0 : i32
    %dma_start3A_50 = tpu.memref_slice %arg10[%dma_start3A_48, %dma_start3A_49] : memref<2176x128xf32, #tpu.memory_space<vmem_shared>> -> memref<2176x128xf32, #tpu.memory_space<vmem_shared>>
    tpu.enqueue_indirect_dma source(%dma_start3A_50 : memref<2176x128xf32, #tpu.memory_space<vmem_shared>>) target(%dma_start3A_44 : memref<128x128xf32, #tpu.memory_space<vmem>>) offsets(%dma_start3A_47 : memref<128xi32, #tpu.memory_space<vmem>>) semaphore(%arg11 : memref<!tpu.dma_semaphore, #tpu.memory_space<semaphore_mem>>)
    %dma_wait3A = arith.constant 0 : i32
    %dma_wait3A_51 = arith.constant 0 : i32
    %dma_wait3A_52 = arith.constant 0 : i32
    %dma_wait3A_53 = tpu.memref_slice %arg8[%dma_wait3A_51, %dma_wait3A_52] : memref<512x128xf32, #tpu.memory_space<vmem>> -> memref<128x128xf32, #tpu.memory_space<vmem>>
    %dma_wait3A_54 = arith.constant 0 : i32
    %dma_wait3A_55 = tpu.memref_slice %arg7[%dma_wait3A, %dma_wait3A_54] : memref<8x128xi32, #tpu.memory_space<vmem>> -> memref<1x128xi32, #tpu.memory_space<vmem>>
    %dma_wait3A_56 = tpu.memref_squeeze %dma_wait3A_55 : memref<1x128xi32, #tpu.memory_space<vmem>> -> memref<128xi32, #tpu.memory_space<vmem>>
    %dma_wait3A_57 = arith.constant 0 : i32
    %dma_wait3A_58 = arith.constant 0 : i32
    %dma_wait3A_59 = tpu.memref_slice %arg10[%dma_wait3A_57, %dma_wait3A_58] : memref<2176x128xf32, #tpu.memory_space<vmem_shared>> -> memref<2176x128xf32, #tpu.memory_space<vmem_shared>>
    tpu.wait_indirect_dma semaphore(%arg11 : memref<!tpu.dma_semaphore, #tpu.memory_space<semaphore_mem>>) src(%dma_wait3A_59 : memref<2176x128xf32, #tpu.memory_space<vmem_shared>>) dst(%dma_wait3A_53 : memref<128x128xf32, #tpu.memory_space<vmem>>)
    %dma_wait3A_60 = arith.constant 1 : i32
    %dma_wait3A_61 = arith.constant 128 : i32
    %dma_wait3A_62 = arith.constant 0 : i32
    %dma_wait3A_63 = tpu.memref_slice %arg8[%dma_wait3A_61, %dma_wait3A_62] : memref<512x128xf32, #tpu.memory_space<vmem>> -> memref<128x128xf32, #tpu.memory_space<vmem>>
    %dma_wait3A_64 = arith.constant 0 : i32
    %dma_wait3A_65 = tpu.memref_slice %arg7[%dma_wait3A_60, %dma_wait3A_64] : memref<8x128xi32, #tpu.memory_space<vmem>> -> memref<1x128xi32, #tpu.memory_space<vmem>>
    %dma_wait3A_66 = tpu.memref_squeeze %dma_wait3A_65 : memref<1x128xi32, #tpu.memory_space<vmem>> -> memref<128xi32, #tpu.memory_space<vmem>>
    %dma_wait3A_67 = arith.constant 0 : i32
    %dma_wait3A_68 = arith.constant 0 : i32
    %dma_wait3A_69 = tpu.memref_slice %arg10[%dma_wait3A_67, %dma_wait3A_68] : memref<2176x128xf32, #tpu.memory_space<vmem_shared>> -> memref<2176x128xf32, #tpu.memory_space<vmem_shared>>
    tpu.wait_indirect_dma semaphore(%arg11 : memref<!tpu.dma_semaphore, #tpu.memory_space<semaphore_mem>>) src(%dma_wait3A_69 : memref<2176x128xf32, #tpu.memory_space<vmem_shared>>) dst(%dma_wait3A_63 : memref<128x128xf32, #tpu.memory_space<vmem>>)
    %dma_wait3A_70 = arith.constant 2 : i32
    %dma_wait3A_71 = arith.constant 256 : i32
    %dma_wait3A_72 = arith.constant 0 : i32
    %dma_wait3A_73 = tpu.memref_slice %arg8[%dma_wait3A_71, %dma_wait3A_72] : memref<512x128xf32, #tpu.memory_space<vmem>> -> memref<128x128xf32, #tpu.memory_space<vmem>>
    %dma_wait3A_74 = arith.constant 0 : i32
    %dma_wait3A_75 = tpu.memref_slice %arg7[%dma_wait3A_70, %dma_wait3A_74] : memref<8x128xi32, #tpu.memory_space<vmem>> -> memref<1x128xi32, #tpu.memory_space<vmem>>
    %dma_wait3A_76 = tpu.memref_squeeze %dma_wait3A_75 : memref<1x128xi32, #tpu.memory_space<vmem>> -> memref<128xi32, #tpu.memory_space<vmem>>
    %dma_wait3A_77 = arith.constant 0 : i32
    %dma_wait3A_78 = arith.constant 0 : i32
    %dma_wait3A_79 = tpu.memref_slice %arg10[%dma_wait3A_77, %dma_wait3A_78] : memref<2176x128xf32, #tpu.memory_space<vmem_shared>> -> memref<2176x128xf32, #tpu.memory_space<vmem_shared>>
    tpu.wait_indirect_dma semaphore(%arg11 : memref<!tpu.dma_semaphore, #tpu.memory_space<semaphore_mem>>) src(%dma_wait3A_79 : memref<2176x128xf32, #tpu.memory_space<vmem_shared>>) dst(%dma_wait3A_73 : memref<128x128xf32, #tpu.memory_space<vmem>>)
    %dma_wait3A_80 = arith.constant 3 : i32
    %dma_wait3A_81 = arith.constant 384 : i32
    %dma_wait3A_82 = arith.constant 0 : i32
    %dma_wait3A_83 = tpu.memref_slice %arg8[%dma_wait3A_81, %dma_wait3A_82] : memref<512x128xf32, #tpu.memory_space<vmem>> -> memref<128x128xf32, #tpu.memory_space<vmem>>
    %dma_wait3A_84 = arith.constant 0 : i32
    %dma_wait3A_85 = tpu.memref_slice %arg7[%dma_wait3A_80, %dma_wait3A_84] : memref<8x128xi32, #tpu.memory_space<vmem>> -> memref<1x128xi32, #tpu.memory_space<vmem>>
    %dma_wait3A_86 = tpu.memref_squeeze %dma_wait3A_85 : memref<1x128xi32, #tpu.memory_space<vmem>> -> memref<128xi32, #tpu.memory_space<vmem>>
    %dma_wait3A_87 = arith.constant 0 : i32
    %dma_wait3A_88 = arith.constant 0 : i32
    %dma_wait3A_89 = tpu.memref_slice %arg10[%dma_wait3A_87, %dma_wait3A_88] : memref<2176x128xf32, #tpu.memory_space<vmem_shared>> -> memref<2176x128xf32, #tpu.memory_space<vmem_shared>>
    tpu.wait_indirect_dma semaphore(%arg11 : memref<!tpu.dma_semaphore, #tpu.memory_space<semaphore_mem>>) src(%dma_wait3A_89 : memref<2176x128xf32, #tpu.memory_space<vmem_shared>>) dst(%dma_wait3A_83 : memref<128x128xf32, #tpu.memory_space<vmem>>)
    %mul3A_90 = arith.constant 1024 : i32
    %mul3A_91 = arith.muli %arg1, %mul3A_90 : i32
    %add3A_92 = arith.constant 0 : i32
    %add3A_93 = arith.addi %mul3A_91, %add3A_92 : i32
    %eq3A_94 = arith.constant 0 : i32
    %eq3A_95 = arith.cmpi eq, %arg0, %eq3A_94 : i32
    %convert_element_type3A_96 = arith.extui %eq3A_95 : i1 to i32
    %cond3A_97 = arith.constant 0 : i32
    %cond3A_98 = arith.cmpi ne, %convert_element_type3A_96, %cond3A_97 : i32
    scf.if %cond3A_98 {
      "tpu.region"() ({
        %run_scoped3A = tpu.sem_alloc : memref<!tpu.dma_semaphore, #tpu.memory_space<semaphore_mem>>
        %dma_start3A_198 = arith.constant 0 : i32
        %dma_start3A_199 = tpu.memref_slice %arg5[%add3A_93, %dma_start3A_198] : memref<16384x128xf32, #tpu.memory_space<hbm>> -> memref<512x128xf32, #tpu.memory_space<hbm>>
        %dma_start3A_200 = arith.constant 0 : i32
        %dma_start3A_201 = tpu.memref_slice %arg5[%add3A_93, %dma_start3A_200] : memref<16384x128xf32, #tpu.memory_space<hbm>> -> memref<512x128xf32, #tpu.memory_space<hbm>>
        tpu.enqueue_dma source(%arg8 : memref<512x128xf32, #tpu.memory_space<vmem>>) target(%dma_start3A_201 : memref<512x128xf32, #tpu.memory_space<hbm>>) target_semaphore(%run_scoped3A : memref<!tpu.dma_semaphore, #tpu.memory_space<semaphore_mem>>)
        %dma_wait3A_202 = arith.constant 0 : i32
        %dma_wait3A_203 = tpu.memref_slice %arg5[%add3A_93, %dma_wait3A_202] : memref<16384x128xf32, #tpu.memory_space<hbm>> -> memref<512x128xf32, #tpu.memory_space<hbm>>
        %dma_wait3A_204 = arith.constant 0 : i32
        %dma_wait3A_205 = tpu.memref_slice %arg5[%add3A_93, %dma_wait3A_204] : memref<16384x128xf32, #tpu.memory_space<hbm>> -> memref<512x128xf32, #tpu.memory_space<hbm>>
        tpu.wait_dma2 semaphore(%run_scoped3A : memref<!tpu.dma_semaphore, #tpu.memory_space<semaphore_mem>>) src(%arg8 : memref<512x128xf32, #tpu.memory_space<vmem>>) dst(%dma_wait3A_205 : memref<512x128xf32, #tpu.memory_space<hbm>>)
        tpu.yield
      }) : () -> ()
    } else {
    }
    %eq3A_99 = arith.constant 1 : i32
    %eq3A_100 = arith.cmpi eq, %arg0, %eq3A_99 : i32
    %convert_element_type3A_101 = arith.extui %eq3A_100 : i1 to i32
    %cond3A_102 = arith.constant 0 : i32
    %cond3A_103 = arith.cmpi ne, %convert_element_type3A_101, %cond3A_102 : i32
    scf.if %cond3A_103 {
      "tpu.region"() ({
        %run_scoped3A = tpu.sem_alloc : memref<!tpu.dma_semaphore, #tpu.memory_space<semaphore_mem>>
        %dma_start3A_198 = arith.constant 0 : i32
        %dma_start3A_199 = tpu.memref_slice %arg6[%add3A_93, %dma_start3A_198] : memref<16384x128xf32, #tpu.memory_space<hbm>> -> memref<512x128xf32, #tpu.memory_space<hbm>>
        %dma_start3A_200 = arith.constant 0 : i32
        %dma_start3A_201 = tpu.memref_slice %arg6[%add3A_93, %dma_start3A_200] : memref<16384x128xf32, #tpu.memory_space<hbm>> -> memref<512x128xf32, #tpu.memory_space<hbm>>
        tpu.enqueue_dma source(%arg8 : memref<512x128xf32, #tpu.memory_space<vmem>>) target(%dma_start3A_201 : memref<512x128xf32, #tpu.memory_space<hbm>>) target_semaphore(%run_scoped3A : memref<!tpu.dma_semaphore, #tpu.memory_space<semaphore_mem>>)
        %dma_wait3A_202 = arith.constant 0 : i32
        %dma_wait3A_203 = tpu.memref_slice %arg6[%add3A_93, %dma_wait3A_202] : memref<16384x128xf32, #tpu.memory_space<hbm>> -> memref<512x128xf32, #tpu.memory_space<hbm>>
        %dma_wait3A_204 = arith.constant 0 : i32
        %dma_wait3A_205 = tpu.memref_slice %arg6[%add3A_93, %dma_wait3A_204] : memref<16384x128xf32, #tpu.memory_space<hbm>> -> memref<512x128xf32, #tpu.memory_space<hbm>>
        tpu.wait_dma2 semaphore(%run_scoped3A : memref<!tpu.dma_semaphore, #tpu.memory_space<semaphore_mem>>) src(%arg8 : memref<512x128xf32, #tpu.memory_space<vmem>>) dst(%dma_wait3A_205 : memref<512x128xf32, #tpu.memory_space<hbm>>)
        tpu.yield
      }) : () -> ()
    } else {
    }
    %dma_start3A_104 = arith.constant 4 : i32
    %dma_start3A_105 = arith.constant 0 : i32
    %dma_start3A_106 = arith.constant 0 : i32
    %dma_start3A_107 = tpu.memref_slice %arg8[%dma_start3A_105, %dma_start3A_106] : memref<512x128xf32, #tpu.memory_space<vmem>> -> memref<128x128xf32, #tpu.memory_space<vmem>>
    %dma_start3A_108 = arith.constant 0 : i32
    %dma_start3A_109 = tpu.memref_slice %arg7[%dma_start3A_104, %dma_start3A_108] : memref<8x128xi32, #tpu.memory_space<vmem>> -> memref<1x128xi32, #tpu.memory_space<vmem>>
    %dma_start3A_110 = tpu.memref_squeeze %dma_start3A_109 : memref<1x128xi32, #tpu.memory_space<vmem>> -> memref<128xi32, #tpu.memory_space<vmem>>
    %dma_start3A_111 = arith.constant 0 : i32
    %dma_start3A_112 = arith.constant 0 : i32
    %dma_start3A_113 = tpu.memref_slice %arg10[%dma_start3A_111, %dma_start3A_112] : memref<2176x128xf32, #tpu.memory_space<vmem_shared>> -> memref<2176x128xf32, #tpu.memory_space<vmem_shared>>
    tpu.enqueue_indirect_dma source(%dma_start3A_113 : memref<2176x128xf32, #tpu.memory_space<vmem_shared>>) target(%dma_start3A_107 : memref<128x128xf32, #tpu.memory_space<vmem>>) offsets(%dma_start3A_110 : memref<128xi32, #tpu.memory_space<vmem>>) semaphore(%arg11 : memref<!tpu.dma_semaphore, #tpu.memory_space<semaphore_mem>>)
    %dma_start3A_114 = arith.constant 5 : i32
    %dma_start3A_115 = arith.constant 128 : i32
    %dma_start3A_116 = arith.constant 0 : i32
    %dma_start3A_117 = tpu.memref_slice %arg8[%dma_start3A_115, %dma_start3A_116] : memref<512x128xf32, #tpu.memory_space<vmem>> -> memref<128x128xf32, #tpu.memory_space<vmem>>
    %dma_start3A_118 = arith.constant 0 : i32
    %dma_start3A_119 = tpu.memref_slice %arg7[%dma_start3A_114, %dma_start3A_118] : memref<8x128xi32, #tpu.memory_space<vmem>> -> memref<1x128xi32, #tpu.memory_space<vmem>>
    %dma_start3A_120 = tpu.memref_squeeze %dma_start3A_119 : memref<1x128xi32, #tpu.memory_space<vmem>> -> memref<128xi32, #tpu.memory_space<vmem>>
    %dma_start3A_121 = arith.constant 0 : i32
    %dma_start3A_122 = arith.constant 0 : i32
    %dma_start3A_123 = tpu.memref_slice %arg10[%dma_start3A_121, %dma_start3A_122] : memref<2176x128xf32, #tpu.memory_space<vmem_shared>> -> memref<2176x128xf32, #tpu.memory_space<vmem_shared>>
    tpu.enqueue_indirect_dma source(%dma_start3A_123 : memref<2176x128xf32, #tpu.memory_space<vmem_shared>>) target(%dma_start3A_117 : memref<128x128xf32, #tpu.memory_space<vmem>>) offsets(%dma_start3A_120 : memref<128xi32, #tpu.memory_space<vmem>>) semaphore(%arg11 : memref<!tpu.dma_semaphore, #tpu.memory_space<semaphore_mem>>)
    %dma_start3A_124 = arith.constant 6 : i32
    %dma_start3A_125 = arith.constant 256 : i32
    %dma_start3A_126 = arith.constant 0 : i32
    %dma_start3A_127 = tpu.memref_slice %arg8[%dma_start3A_125, %dma_start3A_126] : memref<512x128xf32, #tpu.memory_space<vmem>> -> memref<128x128xf32, #tpu.memory_space<vmem>>
    %dma_start3A_128 = arith.constant 0 : i32
    %dma_start3A_129 = tpu.memref_slice %arg7[%dma_start3A_124, %dma_start3A_128] : memref<8x128xi32, #tpu.memory_space<vmem>> -> memref<1x128xi32, #tpu.memory_space<vmem>>
    %dma_start3A_130 = tpu.memref_squeeze %dma_start3A_129 : memref<1x128xi32, #tpu.memory_space<vmem>> -> memref<128xi32, #tpu.memory_space<vmem>>
    %dma_start3A_131 = arith.constant 0 : i32
    %dma_start3A_132 = arith.constant 0 : i32
    %dma_start3A_133 = tpu.memref_slice %arg10[%dma_start3A_131, %dma_start3A_132] : memref<2176x128xf32, #tpu.memory_space<vmem_shared>> -> memref<2176x128xf32, #tpu.memory_space<vmem_shared>>
    tpu.enqueue_indirect_dma source(%dma_start3A_133 : memref<2176x128xf32, #tpu.memory_space<vmem_shared>>) target(%dma_start3A_127 : memref<128x128xf32, #tpu.memory_space<vmem>>) offsets(%dma_start3A_130 : memref<128xi32, #tpu.memory_space<vmem>>) semaphore(%arg11 : memref<!tpu.dma_semaphore, #tpu.memory_space<semaphore_mem>>)
    %dma_start3A_134 = arith.constant 7 : i32
    %dma_start3A_135 = arith.constant 384 : i32
    %dma_start3A_136 = arith.constant 0 : i32
    %dma_start3A_137 = tpu.memref_slice %arg8[%dma_start3A_135, %dma_start3A_136] : memref<512x128xf32, #tpu.memory_space<vmem>> -> memref<128x128xf32, #tpu.memory_space<vmem>>
    %dma_start3A_138 = arith.constant 0 : i32
    %dma_start3A_139 = tpu.memref_slice %arg7[%dma_start3A_134, %dma_start3A_138] : memref<8x128xi32, #tpu.memory_space<vmem>> -> memref<1x128xi32, #tpu.memory_space<vmem>>
    %dma_start3A_140 = tpu.memref_squeeze %dma_start3A_139 : memref<1x128xi32, #tpu.memory_space<vmem>> -> memref<128xi32, #tpu.memory_space<vmem>>
    %dma_start3A_141 = arith.constant 0 : i32
    %dma_start3A_142 = arith.constant 0 : i32
    %dma_start3A_143 = tpu.memref_slice %arg10[%dma_start3A_141, %dma_start3A_142] : memref<2176x128xf32, #tpu.memory_space<vmem_shared>> -> memref<2176x128xf32, #tpu.memory_space<vmem_shared>>
    tpu.enqueue_indirect_dma source(%dma_start3A_143 : memref<2176x128xf32, #tpu.memory_space<vmem_shared>>) target(%dma_start3A_137 : memref<128x128xf32, #tpu.memory_space<vmem>>) offsets(%dma_start3A_140 : memref<128xi32, #tpu.memory_space<vmem>>) semaphore(%arg11 : memref<!tpu.dma_semaphore, #tpu.memory_space<semaphore_mem>>)
    %dma_wait3A_144 = arith.constant 4 : i32
    %dma_wait3A_145 = arith.constant 0 : i32
    %dma_wait3A_146 = arith.constant 0 : i32
    %dma_wait3A_147 = tpu.memref_slice %arg8[%dma_wait3A_145, %dma_wait3A_146] : memref<512x128xf32, #tpu.memory_space<vmem>> -> memref<128x128xf32, #tpu.memory_space<vmem>>
    %dma_wait3A_148 = arith.constant 0 : i32
    %dma_wait3A_149 = tpu.memref_slice %arg7[%dma_wait3A_144, %dma_wait3A_148] : memref<8x128xi32, #tpu.memory_space<vmem>> -> memref<1x128xi32, #tpu.memory_space<vmem>>
    %dma_wait3A_150 = tpu.memref_squeeze %dma_wait3A_149 : memref<1x128xi32, #tpu.memory_space<vmem>> -> memref<128xi32, #tpu.memory_space<vmem>>
    %dma_wait3A_151 = arith.constant 0 : i32
    %dma_wait3A_152 = arith.constant 0 : i32
    %dma_wait3A_153 = tpu.memref_slice %arg10[%dma_wait3A_151, %dma_wait3A_152] : memref<2176x128xf32, #tpu.memory_space<vmem_shared>> -> memref<2176x128xf32, #tpu.memory_space<vmem_shared>>
    tpu.wait_indirect_dma semaphore(%arg11 : memref<!tpu.dma_semaphore, #tpu.memory_space<semaphore_mem>>) src(%dma_wait3A_153 : memref<2176x128xf32, #tpu.memory_space<vmem_shared>>) dst(%dma_wait3A_147 : memref<128x128xf32, #tpu.memory_space<vmem>>)
    %dma_wait3A_154 = arith.constant 5 : i32
    %dma_wait3A_155 = arith.constant 128 : i32
    %dma_wait3A_156 = arith.constant 0 : i32
    %dma_wait3A_157 = tpu.memref_slice %arg8[%dma_wait3A_155, %dma_wait3A_156] : memref<512x128xf32, #tpu.memory_space<vmem>> -> memref<128x128xf32, #tpu.memory_space<vmem>>
    %dma_wait3A_158 = arith.constant 0 : i32
    %dma_wait3A_159 = tpu.memref_slice %arg7[%dma_wait3A_154, %dma_wait3A_158] : memref<8x128xi32, #tpu.memory_space<vmem>> -> memref<1x128xi32, #tpu.memory_space<vmem>>
    %dma_wait3A_160 = tpu.memref_squeeze %dma_wait3A_159 : memref<1x128xi32, #tpu.memory_space<vmem>> -> memref<128xi32, #tpu.memory_space<vmem>>
    %dma_wait3A_161 = arith.constant 0 : i32
    %dma_wait3A_162 = arith.constant 0 : i32
    %dma_wait3A_163 = tpu.memref_slice %arg10[%dma_wait3A_161, %dma_wait3A_162] : memref<2176x128xf32, #tpu.memory_space<vmem_shared>> -> memref<2176x128xf32, #tpu.memory_space<vmem_shared>>
    tpu.wait_indirect_dma semaphore(%arg11 : memref<!tpu.dma_semaphore, #tpu.memory_space<semaphore_mem>>) src(%dma_wait3A_163 : memref<2176x128xf32, #tpu.memory_space<vmem_shared>>) dst(%dma_wait3A_157 : memref<128x128xf32, #tpu.memory_space<vmem>>)
    %dma_wait3A_164 = arith.constant 6 : i32
    %dma_wait3A_165 = arith.constant 256 : i32
    %dma_wait3A_166 = arith.constant 0 : i32
    %dma_wait3A_167 = tpu.memref_slice %arg8[%dma_wait3A_165, %dma_wait3A_166] : memref<512x128xf32, #tpu.memory_space<vmem>> -> memref<128x128xf32, #tpu.memory_space<vmem>>
    %dma_wait3A_168 = arith.constant 0 : i32
    %dma_wait3A_169 = tpu.memref_slice %arg7[%dma_wait3A_164, %dma_wait3A_168] : memref<8x128xi32, #tpu.memory_space<vmem>> -> memref<1x128xi32, #tpu.memory_space<vmem>>
    %dma_wait3A_170 = tpu.memref_squeeze %dma_wait3A_169 : memref<1x128xi32, #tpu.memory_space<vmem>> -> memref<128xi32, #tpu.memory_space<vmem>>
    %dma_wait3A_171 = arith.constant 0 : i32
    %dma_wait3A_172 = arith.constant 0 : i32
    %dma_wait3A_173 = tpu.memref_slice %arg10[%dma_wait3A_171, %dma_wait3A_172] : memref<2176x128xf32, #tpu.memory_space<vmem_shared>> -> memref<2176x128xf32, #tpu.memory_space<vmem_shared>>
    tpu.wait_indirect_dma semaphore(%arg11 : memref<!tpu.dma_semaphore, #tpu.memory_space<semaphore_mem>>) src(%dma_wait3A_173 : memref<2176x128xf32, #tpu.memory_space<vmem_shared>>) dst(%dma_wait3A_167 : memref<128x128xf32, #tpu.memory_space<vmem>>)
    %dma_wait3A_174 = arith.constant 7 : i32
    %dma_wait3A_175 = arith.constant 384 : i32
    %dma_wait3A_176 = arith.constant 0 : i32
    %dma_wait3A_177 = tpu.memref_slice %arg8[%dma_wait3A_175, %dma_wait3A_176] : memref<512x128xf32, #tpu.memory_space<vmem>> -> memref<128x128xf32, #tpu.memory_space<vmem>>
    %dma_wait3A_178 = arith.constant 0 : i32
    %dma_wait3A_179 = tpu.memref_slice %arg7[%dma_wait3A_174, %dma_wait3A_178] : memref<8x128xi32, #tpu.memory_space<vmem>> -> memref<1x128xi32, #tpu.memory_space<vmem>>
    %dma_wait3A_180 = tpu.memref_squeeze %dma_wait3A_179 : memref<1x128xi32, #tpu.memory_space<vmem>> -> memref<128xi32, #tpu.memory_space<vmem>>
    %dma_wait3A_181 = arith.constant 0 : i32
    %dma_wait3A_182 = arith.constant 0 : i32
    %dma_wait3A_183 = tpu.memref_slice %arg10[%dma_wait3A_181, %dma_wait3A_182] : memref<2176x128xf32, #tpu.memory_space<vmem_shared>> -> memref<2176x128xf32, #tpu.memory_space<vmem_shared>>
    tpu.wait_indirect_dma semaphore(%arg11 : memref<!tpu.dma_semaphore, #tpu.memory_space<semaphore_mem>>) src(%dma_wait3A_183 : memref<2176x128xf32, #tpu.memory_space<vmem_shared>>) dst(%dma_wait3A_177 : memref<128x128xf32, #tpu.memory_space<vmem>>)
    %mul3A_184 = arith.constant 1024 : i32
    %mul3A_185 = arith.muli %arg1, %mul3A_184 : i32
    %add3A_186 = arith.constant 512 : i32
    %add3A_187 = arith.addi %mul3A_185, %add3A_186 : i32
    %eq3A_188 = arith.constant 0 : i32
    %eq3A_189 = arith.cmpi eq, %arg0, %eq3A_188 : i32
    %convert_element_type3A_190 = arith.extui %eq3A_189 : i1 to i32
    %cond3A_191 = arith.constant 0 : i32
    %cond3A_192 = arith.cmpi ne, %convert_element_type3A_190, %cond3A_191 : i32
    scf.if %cond3A_192 {
      "tpu.region"() ({
        %run_scoped3A = tpu.sem_alloc : memref<!tpu.dma_semaphore, #tpu.memory_space<semaphore_mem>>
        %dma_start3A_198 = arith.constant 0 : i32
        %dma_start3A_199 = tpu.memref_slice %arg5[%add3A_187, %dma_start3A_198] : memref<16384x128xf32, #tpu.memory_space<hbm>> -> memref<512x128xf32, #tpu.memory_space<hbm>>
        %dma_start3A_200 = arith.constant 0 : i32
        %dma_start3A_201 = tpu.memref_slice %arg5[%add3A_187, %dma_start3A_200] : memref<16384x128xf32, #tpu.memory_space<hbm>> -> memref<512x128xf32, #tpu.memory_space<hbm>>
        tpu.enqueue_dma source(%arg8 : memref<512x128xf32, #tpu.memory_space<vmem>>) target(%dma_start3A_201 : memref<512x128xf32, #tpu.memory_space<hbm>>) target_semaphore(%run_scoped3A : memref<!tpu.dma_semaphore, #tpu.memory_space<semaphore_mem>>)
        %dma_wait3A_202 = arith.constant 0 : i32
        %dma_wait3A_203 = tpu.memref_slice %arg5[%add3A_187, %dma_wait3A_202] : memref<16384x128xf32, #tpu.memory_space<hbm>> -> memref<512x128xf32, #tpu.memory_space<hbm>>
        %dma_wait3A_204 = arith.constant 0 : i32
        %dma_wait3A_205 = tpu.memref_slice %arg5[%add3A_187, %dma_wait3A_204] : memref<16384x128xf32, #tpu.memory_space<hbm>> -> memref<512x128xf32, #tpu.memory_space<hbm>>
        tpu.wait_dma2 semaphore(%run_scoped3A : memref<!tpu.dma_semaphore, #tpu.memory_space<semaphore_mem>>) src(%arg8 : memref<512x128xf32, #tpu.memory_space<vmem>>) dst(%dma_wait3A_205 : memref<512x128xf32, #tpu.memory_space<hbm>>)
        tpu.yield
      }) : () -> ()
    } else {
    }
    %eq3A_193 = arith.constant 1 : i32
    %eq3A_194 = arith.cmpi eq, %arg0, %eq3A_193 : i32
    %convert_element_type3A_195 = arith.extui %eq3A_194 : i1 to i32
    %cond3A_196 = arith.constant 0 : i32
    %cond3A_197 = arith.cmpi ne, %convert_element_type3A_195, %cond3A_196 : i32
    scf.if %cond3A_197 {
      "tpu.region"() ({
        %run_scoped3A = tpu.sem_alloc : memref<!tpu.dma_semaphore, #tpu.memory_space<semaphore_mem>>
        %dma_start3A_198 = arith.constant 0 : i32
        %dma_start3A_199 = tpu.memref_slice %arg6[%add3A_187, %dma_start3A_198] : memref<16384x128xf32, #tpu.memory_space<hbm>> -> memref<512x128xf32, #tpu.memory_space<hbm>>
        %dma_start3A_200 = arith.constant 0 : i32
        %dma_start3A_201 = tpu.memref_slice %arg6[%add3A_187, %dma_start3A_200] : memref<16384x128xf32, #tpu.memory_space<hbm>> -> memref<512x128xf32, #tpu.memory_space<hbm>>
        tpu.enqueue_dma source(%arg8 : memref<512x128xf32, #tpu.memory_space<vmem>>) target(%dma_start3A_201 : memref<512x128xf32, #tpu.memory_space<hbm>>) target_semaphore(%run_scoped3A : memref<!tpu.dma_semaphore, #tpu.memory_space<semaphore_mem>>)
        %dma_wait3A_202 = arith.constant 0 : i32
        %dma_wait3A_203 = tpu.memref_slice %arg6[%add3A_187, %dma_wait3A_202] : memref<16384x128xf32, #tpu.memory_space<hbm>> -> memref<512x128xf32, #tpu.memory_space<hbm>>
        %dma_wait3A_204 = arith.constant 0 : i32
        %dma_wait3A_205 = tpu.memref_slice %arg6[%add3A_187, %dma_wait3A_204] : memref<16384x128xf32, #tpu.memory_space<hbm>> -> memref<512x128xf32, #tpu.memory_space<hbm>>
        tpu.wait_dma2 semaphore(%run_scoped3A : memref<!tpu.dma_semaphore, #tpu.memory_space<semaphore_mem>>) src(%arg8 : memref<512x128xf32, #tpu.memory_space<vmem>>) dst(%dma_wait3A_205 : memref<512x128xf32, #tpu.memory_space<hbm>>)
        tpu.yield
      }) : () -> ()
    } else {
    }
    return
  }
}

module attributes {stable_mosaic.version = 14 : i64} {
  func.func @_vq_body(%arg0: i32, %arg1: memref<32x64xf32, #tpu.memory_space<vmem>>, %arg2: memref<512x64xf32, #tpu.memory_space<vmem>>, %arg3: memref<1x512xf32, #tpu.memory_space<vmem>>, %arg4: memref<32x128xi32, #tpu.memory_space<vmem>>, %arg5: memref<1x1xf32, #tpu.memory_space<vmem>>, %arg6: memref<1x512xf32, #tpu.memory_space<vmem>>) attributes {dimension_semantics = [#tpu.dimension_semantics<arbitrary>], iteration_bounds = array<i64: 1>, scalar_prefetch = 0 : i64, scratch_operands = 0 : i64, tpu.core_type = #tpu.core_type<tc>, window_params = [{transform_indices = @transform_0, window_bounds = array<i64: 32, 64>}, {pipeline_mode = #tpu.pipeline_mode<synchronous>, transform_indices = @transform_1, window_bounds = array<i64: 512, 64>}, {pipeline_mode = #tpu.pipeline_mode<synchronous>, transform_indices = @transform_2, window_bounds = array<i64: 1, 512>}, {transform_indices = @transform_3, window_bounds = array<i64: 32, 128>}, {pipeline_mode = #tpu.pipeline_mode<synchronous>, transform_indices = @transform_4, window_bounds = array<i64: 1, 1>}, {pipeline_mode = #tpu.pipeline_mode<synchronous>, transform_indices = @transform_5, window_bounds = array<i64: 1, 512>}]} {
    %get3A = arith.constant 0 : index
    %get3A_0 = arith.constant 0 : index
    %get3A_1 = vector.load %arg1[%get3A, %get3A_0] : memref<32x64xf32, #tpu.memory_space<vmem>>, vector<32x64xf32>
    %get3A_2 = arith.constant 0 : index
    %get3A_3 = arith.constant 0 : index
    %get3A_4 = vector.load %arg2[%get3A_2, %get3A_3] : memref<512x64xf32, #tpu.memory_space<vmem>>, vector<512x64xf32>
    %get3A_5 = arith.constant 0 : index
    %get3A_6 = arith.constant 0 : index
    %get3A_7 = vector.load %arg3[%get3A_5, %get3A_6] : memref<1x512xf32, #tpu.memory_space<vmem>>, vector<1x512xf32>
    %mul3A = arith.mulf %get3A_1, %get3A_1 : vector<32x64xf32>
    %reduce_sum3A = arith.constant dense<0.000000e+00> : vector<32xf32>
    %reduce_sum3A_8 = vector.multi_reduction <add>, %mul3A, %reduce_sum3A [1] : vector<32x64xf32> to vector<32xf32>
    %broadcast_in_dim3A = vector.shape_cast %reduce_sum3A_8 : vector<32xf32> to vector<32x1xf32>
    %mul3A_9 = arith.constant -2.000000e+00 : f32
    %mul3A_10 = vector.broadcast %mul3A_9 : f32 to vector<32x64xf32>
    %mul3A_11 = arith.mulf %get3A_1, %mul3A_10 : vector<32x64xf32>
    %dot_general3A = arith.constant dense<0.000000e+00> : vector<32x512xf32>
    %dot_general3A_12 = tpu.matmul %mul3A_11, %get3A_4, %dot_general3A {dimension_numbers = #tpu.dot_dimension_numbers<[1], [1], [0], [0], [0, 0, 1, 0], [], []>, transpose_lhs_hint = false} : vector<32x64xf32>, vector<512x64xf32>, vector<32x512xf32> -> vector<32x512xf32>
    %add3A = vector.broadcast %broadcast_in_dim3A : vector<32x1xf32> to vector<32x512xf32>
    %add3A_13 = vector.broadcast %get3A_7 : vector<1x512xf32> to vector<32x512xf32>
    %add3A_14 = arith.addf %add3A, %add3A_13 : vector<32x512xf32>
    %add3A_15 = arith.addf %add3A_14, %dot_general3A_12 : vector<32x512xf32>
    %iota3A = tpu.iota {dimensions = array<i32: 1>} : vector<32x512xi32>
    %convert_element_type3A = arith.sitofp %iota3A : vector<32x512xi32> to vector<32x512xf32>
    %iota3A_16 = tpu.iota {dimensions = array<i32: 1>} : vector<32x128xi32>
    %broadcast_in_dim3A_17 = arith.constant 0 : i32
    %broadcast_in_dim3A_18 = vector.broadcast %broadcast_in_dim3A_17 : i32 to vector<32x128xi32>
    %broadcast_in_dim3A_19 = arith.constant 0.000000e+00 : f32
    %broadcast_in_dim3A_20 = vector.broadcast %broadcast_in_dim3A_19 : f32 to vector<32x1xf32>
    %reduce_min3A = arith.constant dense<0x7F800000> : vector<32xf32>
    %reduce_min3A_21 = vector.multi_reduction <minimumf>, %add3A_15, %reduce_min3A [1] : vector<32x512xf32> to vector<32xf32>
    %broadcast_in_dim3A_22 = vector.shape_cast %reduce_min3A_21 : vector<32xf32> to vector<32x1xf32>
    %eq3A = vector.broadcast %broadcast_in_dim3A_22 : vector<32x1xf32> to vector<32x512xf32>
    %eq3A_23 = arith.cmpf oeq, %add3A_15, %eq3A : vector<32x512xf32>
    %jit3A = arith.constant 5.120000e+02 : f32
    %broadcast_in_dim3A_24 = vector.broadcast %jit3A : f32 to vector<32x512xf32>
    %select_n3A = arith.select %eq3A_23, %convert_element_type3A, %broadcast_in_dim3A_24 : vector<32x512xi1>, vector<32x512xf32>
    %reduce_min3A_25 = arith.constant dense<0x7F800000> : vector<32xf32>
    %reduce_min3A_26 = vector.multi_reduction <minimumf>, %select_n3A, %reduce_min3A_25 [1] : vector<32x512xf32> to vector<32xf32>
    %broadcast_in_dim3A_27 = vector.shape_cast %reduce_min3A_26 : vector<32xf32> to vector<32x1xf32>
    %eq3A_28 = vector.broadcast %broadcast_in_dim3A_27 : vector<32x1xf32> to vector<32x512xf32>
    %eq3A_29 = arith.cmpf oeq, %convert_element_type3A, %eq3A_28 : vector<32x512xf32>
    %jit3A_30 = arith.constant 0x7F800000 : f32
    %broadcast_in_dim3A_31 = vector.broadcast %jit3A_30 : f32 to vector<32x512xf32>
    %select_n3A_32 = arith.select %eq3A_29, %broadcast_in_dim3A_31, %add3A_15 : vector<32x512xi1>, vector<32x512xf32>
    %convert_element_type3A_33 = arith.fptosi %broadcast_in_dim3A_27 : vector<32x1xf32> to vector<32x1xi32>
    %eq3A_34 = arith.constant 0 : i32
    %eq3A_35 = vector.broadcast %eq3A_34 : i32 to vector<32x128xi32>
    %eq3A_36 = arith.cmpi eq, %iota3A_16, %eq3A_35 : vector<32x128xi32>
    %add3A_37 = arith.constant 0 : i32
    %add3A_38 = vector.broadcast %add3A_37 : i32 to vector<32x1xi32>
    %add3A_39 = arith.addi %convert_element_type3A_33, %add3A_38 : vector<32x1xi32>
    %broadcast_in_dim3A_40 = vector.shape_cast %add3A_39 : vector<32x1xi32> to vector<32x1xi32>
    %broadcast_in_dim3A_41 = vector.broadcast %broadcast_in_dim3A_40 : vector<32x1xi32> to vector<32x128xi32>
    %select_n3A_42 = arith.select %eq3A_36, %broadcast_in_dim3A_41, %broadcast_in_dim3A_18 : vector<32x128xi1>, vector<32x128xi32>
    %add3A_43 = arith.addf %broadcast_in_dim3A_20, %broadcast_in_dim3A_22 : vector<32x1xf32>
    %reduce_min3A_44 = arith.constant dense<0x7F800000> : vector<32xf32>
    %reduce_min3A_45 = vector.multi_reduction <minimumf>, %select_n3A_32, %reduce_min3A_44 [1] : vector<32x512xf32> to vector<32xf32>
    %broadcast_in_dim3A_46 = vector.shape_cast %reduce_min3A_45 : vector<32xf32> to vector<32x1xf32>
    %eq3A_47 = vector.broadcast %broadcast_in_dim3A_46 : vector<32x1xf32> to vector<32x512xf32>
    %eq3A_48 = arith.cmpf oeq, %select_n3A_32, %eq3A_47 : vector<32x512xf32>
    %jit3A_49 = arith.constant 5.120000e+02 : f32
    %broadcast_in_dim3A_50 = vector.broadcast %jit3A_49 : f32 to vector<32x512xf32>
    %select_n3A_51 = arith.select %eq3A_48, %convert_element_type3A, %broadcast_in_dim3A_50 : vector<32x512xi1>, vector<32x512xf32>
    %reduce_min3A_52 = arith.constant dense<0x7F800000> : vector<32xf32>
    %reduce_min3A_53 = vector.multi_reduction <minimumf>, %select_n3A_51, %reduce_min3A_52 [1] : vector<32x512xf32> to vector<32xf32>
    %broadcast_in_dim3A_54 = vector.shape_cast %reduce_min3A_53 : vector<32xf32> to vector<32x1xf32>
    %eq3A_55 = vector.broadcast %broadcast_in_dim3A_54 : vector<32x1xf32> to vector<32x512xf32>
    %eq3A_56 = arith.cmpf oeq, %convert_element_type3A, %eq3A_55 : vector<32x512xf32>
    %jit3A_57 = arith.constant 0x7F800000 : f32
    %broadcast_in_dim3A_58 = vector.broadcast %jit3A_57 : f32 to vector<32x512xf32>
    %select_n3A_59 = arith.select %eq3A_56, %broadcast_in_dim3A_58, %select_n3A_32 : vector<32x512xi1>, vector<32x512xf32>
    %convert_element_type3A_60 = arith.fptosi %broadcast_in_dim3A_54 : vector<32x1xf32> to vector<32x1xi32>
    %eq3A_61 = arith.constant 1 : i32
    %eq3A_62 = vector.broadcast %eq3A_61 : i32 to vector<32x128xi32>
    %eq3A_63 = arith.cmpi eq, %iota3A_16, %eq3A_62 : vector<32x128xi32>
    %add3A_64 = arith.constant 0 : i32
    %add3A_65 = vector.broadcast %add3A_64 : i32 to vector<32x1xi32>
    %add3A_66 = arith.addi %convert_element_type3A_60, %add3A_65 : vector<32x1xi32>
    %broadcast_in_dim3A_67 = vector.shape_cast %add3A_66 : vector<32x1xi32> to vector<32x1xi32>
    %broadcast_in_dim3A_68 = vector.broadcast %broadcast_in_dim3A_67 : vector<32x1xi32> to vector<32x128xi32>
    %select_n3A_69 = arith.select %eq3A_63, %broadcast_in_dim3A_68, %select_n3A_42 : vector<32x128xi1>, vector<32x128xi32>
    %add3A_70 = arith.addf %add3A_43, %broadcast_in_dim3A_46 : vector<32x1xf32>
    %reduce_min3A_71 = arith.constant dense<0x7F800000> : vector<32xf32>
    %reduce_min3A_72 = vector.multi_reduction <minimumf>, %select_n3A_59, %reduce_min3A_71 [1] : vector<32x512xf32> to vector<32xf32>
    %broadcast_in_dim3A_73 = vector.shape_cast %reduce_min3A_72 : vector<32xf32> to vector<32x1xf32>
    %eq3A_74 = vector.broadcast %broadcast_in_dim3A_73 : vector<32x1xf32> to vector<32x512xf32>
    %eq3A_75 = arith.cmpf oeq, %select_n3A_59, %eq3A_74 : vector<32x512xf32>
    %jit3A_76 = arith.constant 5.120000e+02 : f32
    %broadcast_in_dim3A_77 = vector.broadcast %jit3A_76 : f32 to vector<32x512xf32>
    %select_n3A_78 = arith.select %eq3A_75, %convert_element_type3A, %broadcast_in_dim3A_77 : vector<32x512xi1>, vector<32x512xf32>
    %reduce_min3A_79 = arith.constant dense<0x7F800000> : vector<32xf32>
    %reduce_min3A_80 = vector.multi_reduction <minimumf>, %select_n3A_78, %reduce_min3A_79 [1] : vector<32x512xf32> to vector<32xf32>
    %broadcast_in_dim3A_81 = vector.shape_cast %reduce_min3A_80 : vector<32xf32> to vector<32x1xf32>
    %eq3A_82 = vector.broadcast %broadcast_in_dim3A_81 : vector<32x1xf32> to vector<32x512xf32>
    %eq3A_83 = arith.cmpf oeq, %convert_element_type3A, %eq3A_82 : vector<32x512xf32>
    %jit3A_84 = arith.constant 0x7F800000 : f32
    %broadcast_in_dim3A_85 = vector.broadcast %jit3A_84 : f32 to vector<32x512xf32>
    %select_n3A_86 = arith.select %eq3A_83, %broadcast_in_dim3A_85, %select_n3A_59 : vector<32x512xi1>, vector<32x512xf32>
    %convert_element_type3A_87 = arith.fptosi %broadcast_in_dim3A_81 : vector<32x1xf32> to vector<32x1xi32>
    %eq3A_88 = arith.constant 2 : i32
    %eq3A_89 = vector.broadcast %eq3A_88 : i32 to vector<32x128xi32>
    %eq3A_90 = arith.cmpi eq, %iota3A_16, %eq3A_89 : vector<32x128xi32>
    %add3A_91 = arith.constant 0 : i32
    %add3A_92 = vector.broadcast %add3A_91 : i32 to vector<32x1xi32>
    %add3A_93 = arith.addi %convert_element_type3A_87, %add3A_92 : vector<32x1xi32>
    %broadcast_in_dim3A_94 = vector.shape_cast %add3A_93 : vector<32x1xi32> to vector<32x1xi32>
    %broadcast_in_dim3A_95 = vector.broadcast %broadcast_in_dim3A_94 : vector<32x1xi32> to vector<32x128xi32>
    %select_n3A_96 = arith.select %eq3A_90, %broadcast_in_dim3A_95, %select_n3A_69 : vector<32x128xi1>, vector<32x128xi32>
    %add3A_97 = arith.addf %add3A_70, %broadcast_in_dim3A_73 : vector<32x1xf32>
    %swap3A = arith.constant 0 : index
    %swap3A_98 = arith.constant 0 : index
    %swap3A_99 = vector.load %arg4[%swap3A, %swap3A_98] : memref<32x128xi32, #tpu.memory_space<vmem>>, vector<32x128xi32>
    tpu.vector_store %arg4[%swap3A, %swap3A_98], %select_n3A_96 {strides = array<i32>} : memref<32x128xi32, #tpu.memory_space<vmem>>, vector<32x128xi32>,
    %eq3A_100 = arith.constant 0x7F800000 : f32
    %eq3A_101 = vector.broadcast %eq3A_100 : f32 to vector<32x512xf32>
    %eq3A_102 = arith.cmpf oeq, %select_n3A_86, %eq3A_101 : vector<32x512xf32>
    %jit3A_103 = arith.constant 1.000000e+00 : f32
    %jit3A_104 = arith.constant 0.000000e+00 : f32
    %broadcast_in_dim3A_105 = vector.broadcast %jit3A_103 : f32 to vector<32x512xf32>
    %broadcast_in_dim3A_106 = vector.broadcast %jit3A_104 : f32 to vector<32x512xf32>
    %select_n3A_107 = arith.select %eq3A_102, %broadcast_in_dim3A_105, %broadcast_in_dim3A_106 : vector<32x512xi1>, vector<32x512xf32>
    %reduce_sum3A_108 = arith.constant dense<0.000000e+00> : vector<512xf32>
    %reduce_sum3A_109 = vector.multi_reduction <add>, %select_n3A_107, %reduce_sum3A_108 [0] : vector<32x512xf32> to vector<512xf32>
    %broadcast_in_dim3A_110 = vector.shape_cast %reduce_sum3A_109 : vector<512xf32> to vector<1x512xf32>
    %eq3A_111 = arith.constant 0 : i32
    %eq3A_112 = arith.cmpi eq, %arg0, %eq3A_111 : i32
    %convert_element_type3A_113 = arith.extui %eq3A_112 : i1 to i32
    %cond3A = arith.constant 0 : i32
    %cond3A_114 = arith.cmpi ne, %convert_element_type3A_113, %cond3A : i32
    scf.if %cond3A_114 {
      %broadcast_in_dim3A_135 = arith.constant 0.000000e+00 : f32
      %broadcast_in_dim3A_136 = vector.broadcast %broadcast_in_dim3A_135 : f32 to vector<1x1xf32>
      %swap3A_137 = arith.constant 0 : index
      %swap3A_138 = arith.constant 0 : index
      %swap3A_139 = vector.load %arg5[%swap3A_137, %swap3A_138] : memref<1x1xf32, #tpu.memory_space<vmem>>, vector<1x1xf32>
      tpu.vector_store %arg5[%swap3A_137, %swap3A_138], %broadcast_in_dim3A_136 {strides = array<i32>} : memref<1x1xf32, #tpu.memory_space<vmem>>, vector<1x1xf32>,
      %broadcast_in_dim3A_140 = arith.constant 0.000000e+00 : f32
      %broadcast_in_dim3A_141 = vector.broadcast %broadcast_in_dim3A_140 : f32 to vector<1x512xf32>
      %swap3A_142 = arith.constant 0 : index
      %swap3A_143 = arith.constant 0 : index
      %swap3A_144 = vector.load %arg6[%swap3A_142, %swap3A_143] : memref<1x512xf32, #tpu.memory_space<vmem>>, vector<1x512xf32>
      tpu.vector_store %arg6[%swap3A_142, %swap3A_143], %broadcast_in_dim3A_141 {strides = array<i32>} : memref<1x512xf32, #tpu.memory_space<vmem>>, vector<1x512xf32>,
    } else {
    }
    %get3A_115 = arith.constant 0 : index
    %get3A_116 = arith.constant 0 : index
    %get3A_117 = vector.load %arg5[%get3A_115, %get3A_116] : memref<1x1xf32, #tpu.memory_space<vmem>>, vector<1x1xf32>
    %reduce_sum3A_118 = vector.shape_cast %add3A_97 : vector<32x1xf32> to vector<1x32x1xf32>
    %reduce_sum3A_119 = arith.constant dense<0.000000e+00> : vector<1xf32>
    %reduce_sum3A_120 = vector.multi_reduction <add>, %reduce_sum3A_118, %reduce_sum3A_119 [1, 2] : vector<1x32x1xf32> to vector<1xf32>
    %reduce_sum3A_121 = vector.shape_cast %reduce_sum3A_120 : vector<1xf32> to vector<1x1x1xf32>
    %reduce_sum3A_122 = vector.extract %reduce_sum3A_121[0, 0, 0] : f32 from vector<1x1x1xf32>
    %broadcast_in_dim3A_123 = vector.broadcast %reduce_sum3A_122 : f32 to vector<1x1xf32>
    %add3A_124 = arith.addf %get3A_117, %broadcast_in_dim3A_123 : vector<1x1xf32>
    %swap3A_125 = arith.constant 0 : index
    %swap3A_126 = arith.constant 0 : index
    %swap3A_127 = vector.load %arg5[%swap3A_125, %swap3A_126] : memref<1x1xf32, #tpu.memory_space<vmem>>, vector<1x1xf32>
    tpu.vector_store %arg5[%swap3A_125, %swap3A_126], %add3A_124 {strides = array<i32>} : memref<1x1xf32, #tpu.memory_space<vmem>>, vector<1x1xf32>,
    %get3A_128 = arith.constant 0 : index
    %get3A_129 = arith.constant 0 : index
    %get3A_130 = vector.load %arg6[%get3A_128, %get3A_129] : memref<1x512xf32, #tpu.memory_space<vmem>>, vector<1x512xf32>
    %add3A_131 = arith.addf %get3A_130, %broadcast_in_dim3A_110 : vector<1x512xf32>
    %swap3A_132 = arith.constant 0 : index
    %swap3A_133 = arith.constant 0 : index
    %swap3A_134 = vector.load %arg6[%swap3A_132, %swap3A_133] : memref<1x512xf32, #tpu.memory_space<vmem>>, vector<1x512xf32>
    tpu.vector_store %arg6[%swap3A_132, %swap3A_133], %add3A_131 {strides = array<i32>} : memref<1x512xf32, #tpu.memory_space<vmem>>, vector<1x512xf32>,
    return
  }
  func.func @transform_0(%arg0: i32) -> (i32, i32) {
    %c0_i32 = arith.constant 0 : i32
    %c0_i32_0 = arith.constant 0 : i32
    return %arg0, %c0_i32 : i32, i32
  }
  func.func @transform_1(%arg0: i32) -> (i32, i32) {
    %c0_i32 = arith.constant 0 : i32
    %c0_i32_0 = arith.constant 0 : i32
    %c0_i32_1 = arith.constant 0 : i32
    return %c0_i32, %c0_i32_0 : i32, i32
  }
  func.func @transform_2(%arg0: i32) -> (i32, i32) {
    %c0_i32 = arith.constant 0 : i32
    %c0_i32_0 = arith.constant 0 : i32
    %c0_i32_1 = arith.constant 0 : i32
    return %c0_i32, %c0_i32_0 : i32, i32
  }
  func.func @transform_3(%arg0: i32) -> (i32, i32) {
    %c0_i32 = arith.constant 0 : i32
    %c0_i32_0 = arith.constant 0 : i32
    return %arg0, %c0_i32 : i32, i32
  }
  func.func @transform_4(%arg0: i32) -> (i32, i32) {
    %c0_i32 = arith.constant 0 : i32
    %c0_i32_0 = arith.constant 0 : i32
    %c0_i32_1 = arith.constant 0 : i32
    return %c0_i32, %c0_i32_0 : i32, i32
  }
  func.func @transform_5(%arg0: i32) -> (i32, i32) {
    %c0_i32 = arith.constant 0 : i32
    %c0_i32_0 = arith.constant 0 : i32
    %c0_i32_1 = arith.constant 0 : i32
    return %c0_i32, %c0_i32_0 : i32, i32
  }
}

module attributes {stable_mosaic.version = 14 : i64} {
  func.func @_vq_body(%arg0: i32, %arg1: memref<512x64xf32, #tpu.memory_space<vmem>>, %arg2: memref<8192x64xf32, #tpu.memory_space<vmem>>, %arg3: memref<1x8192xf32, #tpu.memory_space<vmem>>, %arg4: memref<512x128xi32, #tpu.memory_space<vmem>>, %arg5: memref<1x1xf32, #tpu.memory_space<vmem>>, %arg6: memref<1x8192xf32, #tpu.memory_space<vmem>>) attributes {dimension_semantics = [#tpu.dimension_semantics<arbitrary>], iteration_bounds = array<i64: 8>, scalar_prefetch = 0 : i64, scratch_operands = 0 : i64, tpu.core_type = #tpu.core_type<tc>, window_params = [{transform_indices = @transform_0, window_bounds = array<i64: 512, 64>}, {pipeline_mode = #tpu.pipeline_mode<synchronous>, transform_indices = @transform_1, window_bounds = array<i64: 8192, 64>}, {pipeline_mode = #tpu.pipeline_mode<synchronous>, transform_indices = @transform_2, window_bounds = array<i64: 1, 8192>}, {transform_indices = @transform_3, window_bounds = array<i64: 512, 128>}, {pipeline_mode = #tpu.pipeline_mode<synchronous>, transform_indices = @transform_4, window_bounds = array<i64: 1, 1>}, {pipeline_mode = #tpu.pipeline_mode<synchronous>, transform_indices = @transform_5, window_bounds = array<i64: 1, 8192>}]} {
    %get3A = arith.constant 0 : index
    %get3A_0 = arith.constant 0 : index
    %get3A_1 = vector.load %arg1[%get3A, %get3A_0] : memref<512x64xf32, #tpu.memory_space<vmem>>, vector<512x64xf32>
    %get3A_2 = arith.constant 0 : index
    %get3A_3 = arith.constant 0 : index
    %get3A_4 = vector.load %arg2[%get3A_2, %get3A_3] : memref<8192x64xf32, #tpu.memory_space<vmem>>, vector<8192x64xf32>
    %get3A_5 = arith.constant 0 : index
    %get3A_6 = arith.constant 0 : index
    %get3A_7 = vector.load %arg3[%get3A_5, %get3A_6] : memref<1x8192xf32, #tpu.memory_space<vmem>>, vector<1x8192xf32>
    %mul3A = arith.mulf %get3A_1, %get3A_1 : vector<512x64xf32>
    %reduce_sum3A = arith.constant dense<0.000000e+00> : vector<512xf32>
    %reduce_sum3A_8 = vector.multi_reduction <add>, %mul3A, %reduce_sum3A [1] : vector<512x64xf32> to vector<512xf32>
    %broadcast_in_dim3A = vector.shape_cast %reduce_sum3A_8 : vector<512xf32> to vector<512x1xf32>
    %mul3A_9 = arith.constant -2.000000e+00 : f32
    %mul3A_10 = vector.broadcast %mul3A_9 : f32 to vector<512x64xf32>
    %mul3A_11 = arith.mulf %get3A_1, %mul3A_10 : vector<512x64xf32>
    %dot_general3A = arith.constant dense<0.000000e+00> : vector<512x8192xf32>
    %dot_general3A_12 = tpu.matmul %mul3A_11, %get3A_4, %dot_general3A {dimension_numbers = #tpu.dot_dimension_numbers<[1], [1], [0], [0], [0, 0, 1, 0], [], []>, transpose_lhs_hint = false} : vector<512x64xf32>, vector<8192x64xf32>, vector<512x8192xf32> -> vector<512x8192xf32>
    %add3A = vector.broadcast %broadcast_in_dim3A : vector<512x1xf32> to vector<512x8192xf32>
    %add3A_13 = vector.broadcast %get3A_7 : vector<1x8192xf32> to vector<512x8192xf32>
    %add3A_14 = arith.addf %add3A, %add3A_13 : vector<512x8192xf32>
    %add3A_15 = arith.addf %add3A_14, %dot_general3A_12 : vector<512x8192xf32>
    %iota3A = tpu.iota {dimensions = array<i32: 1>} : vector<512x8192xi32>
    %convert_element_type3A = arith.sitofp %iota3A : vector<512x8192xi32> to vector<512x8192xf32>
    %iota3A_16 = tpu.iota {dimensions = array<i32: 1>} : vector<512x128xi32>
    %broadcast_in_dim3A_17 = arith.constant 0 : i32
    %broadcast_in_dim3A_18 = vector.broadcast %broadcast_in_dim3A_17 : i32 to vector<512x128xi32>
    %broadcast_in_dim3A_19 = arith.constant 0.000000e+00 : f32
    %broadcast_in_dim3A_20 = vector.broadcast %broadcast_in_dim3A_19 : f32 to vector<512x1xf32>
    %reduce_min3A = arith.constant dense<0x7F800000> : vector<512xf32>
    %reduce_min3A_21 = vector.multi_reduction <minimumf>, %add3A_15, %reduce_min3A [1] : vector<512x8192xf32> to vector<512xf32>
    %broadcast_in_dim3A_22 = vector.shape_cast %reduce_min3A_21 : vector<512xf32> to vector<512x1xf32>
    %eq3A = vector.broadcast %broadcast_in_dim3A_22 : vector<512x1xf32> to vector<512x8192xf32>
    %eq3A_23 = arith.cmpf oeq, %add3A_15, %eq3A : vector<512x8192xf32>
    %jit3A = arith.constant 8.192000e+03 : f32
    %broadcast_in_dim3A_24 = vector.broadcast %jit3A : f32 to vector<512x8192xf32>
    %select_n3A = arith.select %eq3A_23, %convert_element_type3A, %broadcast_in_dim3A_24 : vector<512x8192xi1>, vector<512x8192xf32>
    %reduce_min3A_25 = arith.constant dense<0x7F800000> : vector<512xf32>
    %reduce_min3A_26 = vector.multi_reduction <minimumf>, %select_n3A, %reduce_min3A_25 [1] : vector<512x8192xf32> to vector<512xf32>
    %broadcast_in_dim3A_27 = vector.shape_cast %reduce_min3A_26 : vector<512xf32> to vector<512x1xf32>
    %eq3A_28 = vector.broadcast %broadcast_in_dim3A_27 : vector<512x1xf32> to vector<512x8192xf32>
    %eq3A_29 = arith.cmpf oeq, %convert_element_type3A, %eq3A_28 : vector<512x8192xf32>
    %jit3A_30 = arith.constant 0x7F800000 : f32
    %broadcast_in_dim3A_31 = vector.broadcast %jit3A_30 : f32 to vector<512x8192xf32>
    %select_n3A_32 = arith.select %eq3A_29, %broadcast_in_dim3A_31, %add3A_15 : vector<512x8192xi1>, vector<512x8192xf32>
    %convert_element_type3A_33 = arith.fptosi %broadcast_in_dim3A_27 : vector<512x1xf32> to vector<512x1xi32>
    %eq3A_34 = arith.constant 0 : i32
    %eq3A_35 = vector.broadcast %eq3A_34 : i32 to vector<512x128xi32>
    %eq3A_36 = arith.cmpi eq, %iota3A_16, %eq3A_35 : vector<512x128xi32>
    %add3A_37 = arith.constant 512 : i32
    %add3A_38 = vector.broadcast %add3A_37 : i32 to vector<512x1xi32>
    %add3A_39 = arith.addi %convert_element_type3A_33, %add3A_38 : vector<512x1xi32>
    %broadcast_in_dim3A_40 = vector.shape_cast %add3A_39 : vector<512x1xi32> to vector<512x1xi32>
    %broadcast_in_dim3A_41 = vector.broadcast %broadcast_in_dim3A_40 : vector<512x1xi32> to vector<512x128xi32>
    %select_n3A_42 = arith.select %eq3A_36, %broadcast_in_dim3A_41, %broadcast_in_dim3A_18 : vector<512x128xi1>, vector<512x128xi32>
    %add3A_43 = arith.addf %broadcast_in_dim3A_20, %broadcast_in_dim3A_22 : vector<512x1xf32>
    %reduce_min3A_44 = arith.constant dense<0x7F800000> : vector<512xf32>
    %reduce_min3A_45 = vector.multi_reduction <minimumf>, %select_n3A_32, %reduce_min3A_44 [1] : vector<512x8192xf32> to vector<512xf32>
    %broadcast_in_dim3A_46 = vector.shape_cast %reduce_min3A_45 : vector<512xf32> to vector<512x1xf32>
    %eq3A_47 = vector.broadcast %broadcast_in_dim3A_46 : vector<512x1xf32> to vector<512x8192xf32>
    %eq3A_48 = arith.cmpf oeq, %select_n3A_32, %eq3A_47 : vector<512x8192xf32>
    %jit3A_49 = arith.constant 8.192000e+03 : f32
    %broadcast_in_dim3A_50 = vector.broadcast %jit3A_49 : f32 to vector<512x8192xf32>
    %select_n3A_51 = arith.select %eq3A_48, %convert_element_type3A, %broadcast_in_dim3A_50 : vector<512x8192xi1>, vector<512x8192xf32>
    %reduce_min3A_52 = arith.constant dense<0x7F800000> : vector<512xf32>
    %reduce_min3A_53 = vector.multi_reduction <minimumf>, %select_n3A_51, %reduce_min3A_52 [1] : vector<512x8192xf32> to vector<512xf32>
    %broadcast_in_dim3A_54 = vector.shape_cast %reduce_min3A_53 : vector<512xf32> to vector<512x1xf32>
    %eq3A_55 = vector.broadcast %broadcast_in_dim3A_54 : vector<512x1xf32> to vector<512x8192xf32>
    %eq3A_56 = arith.cmpf oeq, %convert_element_type3A, %eq3A_55 : vector<512x8192xf32>
    %jit3A_57 = arith.constant 0x7F800000 : f32
    %broadcast_in_dim3A_58 = vector.broadcast %jit3A_57 : f32 to vector<512x8192xf32>
    %select_n3A_59 = arith.select %eq3A_56, %broadcast_in_dim3A_58, %select_n3A_32 : vector<512x8192xi1>, vector<512x8192xf32>
    %convert_element_type3A_60 = arith.fptosi %broadcast_in_dim3A_54 : vector<512x1xf32> to vector<512x1xi32>
    %eq3A_61 = arith.constant 1 : i32
    %eq3A_62 = vector.broadcast %eq3A_61 : i32 to vector<512x128xi32>
    %eq3A_63 = arith.cmpi eq, %iota3A_16, %eq3A_62 : vector<512x128xi32>
    %add3A_64 = arith.constant 512 : i32
    %add3A_65 = vector.broadcast %add3A_64 : i32 to vector<512x1xi32>
    %add3A_66 = arith.addi %convert_element_type3A_60, %add3A_65 : vector<512x1xi32>
    %broadcast_in_dim3A_67 = vector.shape_cast %add3A_66 : vector<512x1xi32> to vector<512x1xi32>
    %broadcast_in_dim3A_68 = vector.broadcast %broadcast_in_dim3A_67 : vector<512x1xi32> to vector<512x128xi32>
    %select_n3A_69 = arith.select %eq3A_63, %broadcast_in_dim3A_68, %select_n3A_42 : vector<512x128xi1>, vector<512x128xi32>
    %add3A_70 = arith.addf %add3A_43, %broadcast_in_dim3A_46 : vector<512x1xf32>
    %reduce_min3A_71 = arith.constant dense<0x7F800000> : vector<512xf32>
    %reduce_min3A_72 = vector.multi_reduction <minimumf>, %select_n3A_59, %reduce_min3A_71 [1] : vector<512x8192xf32> to vector<512xf32>
    %broadcast_in_dim3A_73 = vector.shape_cast %reduce_min3A_72 : vector<512xf32> to vector<512x1xf32>
    %eq3A_74 = vector.broadcast %broadcast_in_dim3A_73 : vector<512x1xf32> to vector<512x8192xf32>
    %eq3A_75 = arith.cmpf oeq, %select_n3A_59, %eq3A_74 : vector<512x8192xf32>
    %jit3A_76 = arith.constant 8.192000e+03 : f32
    %broadcast_in_dim3A_77 = vector.broadcast %jit3A_76 : f32 to vector<512x8192xf32>
    %select_n3A_78 = arith.select %eq3A_75, %convert_element_type3A, %broadcast_in_dim3A_77 : vector<512x8192xi1>, vector<512x8192xf32>
    %reduce_min3A_79 = arith.constant dense<0x7F800000> : vector<512xf32>
    %reduce_min3A_80 = vector.multi_reduction <minimumf>, %select_n3A_78, %reduce_min3A_79 [1] : vector<512x8192xf32> to vector<512xf32>
    %broadcast_in_dim3A_81 = vector.shape_cast %reduce_min3A_80 : vector<512xf32> to vector<512x1xf32>
    %eq3A_82 = vector.broadcast %broadcast_in_dim3A_81 : vector<512x1xf32> to vector<512x8192xf32>
    %eq3A_83 = arith.cmpf oeq, %convert_element_type3A, %eq3A_82 : vector<512x8192xf32>
    %jit3A_84 = arith.constant 0x7F800000 : f32
    %broadcast_in_dim3A_85 = vector.broadcast %jit3A_84 : f32 to vector<512x8192xf32>
    %select_n3A_86 = arith.select %eq3A_83, %broadcast_in_dim3A_85, %select_n3A_59 : vector<512x8192xi1>, vector<512x8192xf32>
    %convert_element_type3A_87 = arith.fptosi %broadcast_in_dim3A_81 : vector<512x1xf32> to vector<512x1xi32>
    %eq3A_88 = arith.constant 2 : i32
    %eq3A_89 = vector.broadcast %eq3A_88 : i32 to vector<512x128xi32>
    %eq3A_90 = arith.cmpi eq, %iota3A_16, %eq3A_89 : vector<512x128xi32>
    %add3A_91 = arith.constant 512 : i32
    %add3A_92 = vector.broadcast %add3A_91 : i32 to vector<512x1xi32>
    %add3A_93 = arith.addi %convert_element_type3A_87, %add3A_92 : vector<512x1xi32>
    %broadcast_in_dim3A_94 = vector.shape_cast %add3A_93 : vector<512x1xi32> to vector<512x1xi32>
    %broadcast_in_dim3A_95 = vector.broadcast %broadcast_in_dim3A_94 : vector<512x1xi32> to vector<512x128xi32>
    %select_n3A_96 = arith.select %eq3A_90, %broadcast_in_dim3A_95, %select_n3A_69 : vector<512x128xi1>, vector<512x128xi32>
    %add3A_97 = arith.addf %add3A_70, %broadcast_in_dim3A_73 : vector<512x1xf32>
    %swap3A = arith.constant 0 : index
    %swap3A_98 = arith.constant 0 : index
    %swap3A_99 = vector.load %arg4[%swap3A, %swap3A_98] : memref<512x128xi32, #tpu.memory_space<vmem>>, vector<512x128xi32>
    tpu.vector_store %arg4[%swap3A, %swap3A_98], %select_n3A_96 {strides = array<i32>} : memref<512x128xi32, #tpu.memory_space<vmem>>, vector<512x128xi32>,
    %eq3A_100 = arith.constant 0x7F800000 : f32
    %eq3A_101 = vector.broadcast %eq3A_100 : f32 to vector<512x8192xf32>
    %eq3A_102 = arith.cmpf oeq, %select_n3A_86, %eq3A_101 : vector<512x8192xf32>
    %jit3A_103 = arith.constant 1.000000e+00 : f32
    %jit3A_104 = arith.constant 0.000000e+00 : f32
    %broadcast_in_dim3A_105 = vector.broadcast %jit3A_103 : f32 to vector<512x8192xf32>
    %broadcast_in_dim3A_106 = vector.broadcast %jit3A_104 : f32 to vector<512x8192xf32>
    %select_n3A_107 = arith.select %eq3A_102, %broadcast_in_dim3A_105, %broadcast_in_dim3A_106 : vector<512x8192xi1>, vector<512x8192xf32>
    %reduce_sum3A_108 = arith.constant dense<0.000000e+00> : vector<8192xf32>
    %reduce_sum3A_109 = vector.multi_reduction <add>, %select_n3A_107, %reduce_sum3A_108 [0] : vector<512x8192xf32> to vector<8192xf32>
    %broadcast_in_dim3A_110 = vector.shape_cast %reduce_sum3A_109 : vector<8192xf32> to vector<1x8192xf32>
    %eq3A_111 = arith.constant 0 : i32
    %eq3A_112 = arith.cmpi eq, %arg0, %eq3A_111 : i32
    %convert_element_type3A_113 = arith.extui %eq3A_112 : i1 to i32
    %cond3A = arith.constant 0 : i32
    %cond3A_114 = arith.cmpi ne, %convert_element_type3A_113, %cond3A : i32
    scf.if %cond3A_114 {
      %broadcast_in_dim3A_135 = arith.constant 0.000000e+00 : f32
      %broadcast_in_dim3A_136 = vector.broadcast %broadcast_in_dim3A_135 : f32 to vector<1x1xf32>
      %swap3A_137 = arith.constant 0 : index
      %swap3A_138 = arith.constant 0 : index
      %swap3A_139 = vector.load %arg5[%swap3A_137, %swap3A_138] : memref<1x1xf32, #tpu.memory_space<vmem>>, vector<1x1xf32>
      tpu.vector_store %arg5[%swap3A_137, %swap3A_138], %broadcast_in_dim3A_136 {strides = array<i32>} : memref<1x1xf32, #tpu.memory_space<vmem>>, vector<1x1xf32>,
      %broadcast_in_dim3A_140 = arith.constant 0.000000e+00 : f32
      %broadcast_in_dim3A_141 = vector.broadcast %broadcast_in_dim3A_140 : f32 to vector<1x8192xf32>
      %swap3A_142 = arith.constant 0 : index
      %swap3A_143 = arith.constant 0 : index
      %swap3A_144 = vector.load %arg6[%swap3A_142, %swap3A_143] : memref<1x8192xf32, #tpu.memory_space<vmem>>, vector<1x8192xf32>
      tpu.vector_store %arg6[%swap3A_142, %swap3A_143], %broadcast_in_dim3A_141 {strides = array<i32>} : memref<1x8192xf32, #tpu.memory_space<vmem>>, vector<1x8192xf32>,
    } else {
    }
    %get3A_115 = arith.constant 0 : index
    %get3A_116 = arith.constant 0 : index
    %get3A_117 = vector.load %arg5[%get3A_115, %get3A_116] : memref<1x1xf32, #tpu.memory_space<vmem>>, vector<1x1xf32>
    %reduce_sum3A_118 = vector.shape_cast %add3A_97 : vector<512x1xf32> to vector<1x512x1xf32>
    %reduce_sum3A_119 = arith.constant dense<0.000000e+00> : vector<1xf32>
    %reduce_sum3A_120 = vector.multi_reduction <add>, %reduce_sum3A_118, %reduce_sum3A_119 [1, 2] : vector<1x512x1xf32> to vector<1xf32>
    %reduce_sum3A_121 = vector.shape_cast %reduce_sum3A_120 : vector<1xf32> to vector<1x1x1xf32>
    %reduce_sum3A_122 = vector.extract %reduce_sum3A_121[0, 0, 0] : f32 from vector<1x1x1xf32>
    %broadcast_in_dim3A_123 = vector.broadcast %reduce_sum3A_122 : f32 to vector<1x1xf32>
    %add3A_124 = arith.addf %get3A_117, %broadcast_in_dim3A_123 : vector<1x1xf32>
    %swap3A_125 = arith.constant 0 : index
    %swap3A_126 = arith.constant 0 : index
    %swap3A_127 = vector.load %arg5[%swap3A_125, %swap3A_126] : memref<1x1xf32, #tpu.memory_space<vmem>>, vector<1x1xf32>
    tpu.vector_store %arg5[%swap3A_125, %swap3A_126], %add3A_124 {strides = array<i32>} : memref<1x1xf32, #tpu.memory_space<vmem>>, vector<1x1xf32>,
    %get3A_128 = arith.constant 0 : index
    %get3A_129 = arith.constant 0 : index
    %get3A_130 = vector.load %arg6[%get3A_128, %get3A_129] : memref<1x8192xf32, #tpu.memory_space<vmem>>, vector<1x8192xf32>
    %add3A_131 = arith.addf %get3A_130, %broadcast_in_dim3A_110 : vector<1x8192xf32>
    %swap3A_132 = arith.constant 0 : index
    %swap3A_133 = arith.constant 0 : index
    %swap3A_134 = vector.load %arg6[%swap3A_132, %swap3A_133] : memref<1x8192xf32, #tpu.memory_space<vmem>>, vector<1x8192xf32>
    tpu.vector_store %arg6[%swap3A_132, %swap3A_133], %add3A_131 {strides = array<i32>} : memref<1x8192xf32, #tpu.memory_space<vmem>>, vector<1x8192xf32>,
    return
  }
  func.func @transform_0(%arg0: i32) -> (i32, i32) {
    %c0_i32 = arith.constant 0 : i32
    %c0_i32_0 = arith.constant 0 : i32
    return %arg0, %c0_i32 : i32, i32
  }
  func.func @transform_1(%arg0: i32) -> (i32, i32) {
    %c0_i32 = arith.constant 0 : i32
    %c0_i32_0 = arith.constant 0 : i32
    %c0_i32_1 = arith.constant 0 : i32
    return %c0_i32, %c0_i32_0 : i32, i32
  }
  func.func @transform_2(%arg0: i32) -> (i32, i32) {
    %c0_i32 = arith.constant 0 : i32
    %c0_i32_0 = arith.constant 0 : i32
    %c0_i32_1 = arith.constant 0 : i32
    return %c0_i32, %c0_i32_0 : i32, i32
  }
  func.func @transform_3(%arg0: i32) -> (i32, i32) {
    %c0_i32 = arith.constant 0 : i32
    %c0_i32_0 = arith.constant 0 : i32
    return %arg0, %c0_i32 : i32, i32
  }
  func.func @transform_4(%arg0: i32) -> (i32, i32) {
    %c0_i32 = arith.constant 0 : i32
    %c0_i32_0 = arith.constant 0 : i32
    %c0_i32_1 = arith.constant 0 : i32
    return %c0_i32, %c0_i32_0 : i32, i32
  }
  func.func @transform_5(%arg0: i32) -> (i32, i32) {
    %c0_i32 = arith.constant 0 : i32
    %c0_i32_0 = arith.constant 0 : i32
    %c0_i32_1 = arith.constant 0 : i32
    return %c0_i32, %c0_i32_0 : i32, i32
  }
}

module attributes {stable_mosaic.version = 14 : i64} {
  func.func @_finish_body(%arg0: memref<1x8192xf32, #tpu.memory_space<vmem>>, %arg1: memref<1x512xf32, #tpu.memory_space<vmem>>, %arg2: memref<1x1xf32, #tpu.memory_space<vmem>>, %arg3: memref<1x1xf32, #tpu.memory_space<vmem>>, %arg4: memref<1x1xf32, #tpu.memory_space<vmem>>, %arg5: memref<1x1xf32, #tpu.memory_space<vmem>>, %arg6: memref<1x1xf32, #tpu.memory_space<vmem>>) attributes {dimension_semantics = [], scalar_prefetch = 0 : i64, scratch_operands = 0 : i64, tpu.core_type = #tpu.core_type<tc>} {
    %get3A = arith.constant 0 : index
    %get3A_0 = arith.constant 0 : index
    %get3A_1 = vector.load %arg2[%get3A, %get3A_0] : memref<1x1xf32, #tpu.memory_space<vmem>>, vector<1x1xf32>
    %get3A_2 = vector.extract %get3A_1[0, 0] : f32 from vector<1x1xf32>
    %mul3A = arith.constant 4.096000e+03 : f32
    %mul3A_3 = arith.constant 3.000000e+00 : f32
    %mul3A_4 = arith.mulf %mul3A, %mul3A_3 : f32
    %mul3A_5 = arith.constant 6.400000e+01 : f32
    %mul3A_6 = arith.mulf %mul3A_4, %mul3A_5 : f32
    %div3A = arith.divf %get3A_2, %mul3A_6 : f32
    %get3A_7 = arith.constant 0 : index
    %get3A_8 = arith.constant 0 : index
    %get3A_9 = vector.load %arg3[%get3A_7, %get3A_8] : memref<1x1xf32, #tpu.memory_space<vmem>>, vector<1x1xf32>
    %get3A_10 = vector.extract %get3A_9[0, 0] : f32 from vector<1x1xf32>
    %mul3A_11 = arith.constant 3.200000e+01 : f32
    %mul3A_12 = arith.constant 3.000000e+00 : f32
    %mul3A_13 = arith.mulf %mul3A_11, %mul3A_12 : f32
    %mul3A_14 = arith.constant 6.400000e+01 : f32
    %mul3A_15 = arith.mulf %mul3A_13, %mul3A_14 : f32
    %div3A_16 = arith.divf %get3A_10, %mul3A_15 : f32
    %mul3A_17 = arith.constant 2.500000e-01 : f32
    %mul3A_18 = arith.mulf %mul3A_17, %div3A : f32
    %add3A = arith.addf %div3A, %mul3A_18 : f32
    %mul3A_19 = arith.constant 2.500000e-01 : f32
    %mul3A_20 = arith.mulf %mul3A_19, %div3A_16 : f32
    %add3A_21 = arith.addf %div3A_16, %mul3A_20 : f32
    %add3A_22 = arith.addf %add3A, %add3A_21 : f32
    %broadcast_in_dim3A = vector.broadcast %add3A_22 : f32 to vector<1x1xf32>
    %swap3A = arith.constant 0 : index
    %swap3A_23 = arith.constant 0 : index
    %swap3A_24 = vector.load %arg4[%swap3A, %swap3A_23] : memref<1x1xf32, #tpu.memory_space<vmem>>, vector<1x1xf32>
    tpu.vector_store %arg4[%swap3A, %swap3A_23], %broadcast_in_dim3A {strides = array<i32>} : memref<1x1xf32, #tpu.memory_space<vmem>>, vector<1x1xf32>,
    %get3A_25 = arith.constant 0 : index
    %get3A_26 = arith.constant 0 : index
    %get3A_27 = vector.load %arg0[%get3A_25, %get3A_26] : memref<1x8192xf32, #tpu.memory_space<vmem>>, vector<1x8192xf32>
    %div3A_28 = arith.constant 4.096000e+03 : f32
    %div3A_29 = vector.broadcast %div3A_28 : f32 to vector<1x8192xf32>
    %div3A_30 = arith.divf %get3A_27, %div3A_29 : vector<1x8192xf32>
    %get3A_31 = arith.constant 0 : index
    %get3A_32 = arith.constant 0 : index
    %get3A_33 = vector.load %arg1[%get3A_31, %get3A_32] : memref<1x512xf32, #tpu.memory_space<vmem>>, vector<1x512xf32>
    %div3A_34 = arith.constant 3.200000e+01 : f32
    %div3A_35 = vector.broadcast %div3A_34 : f32 to vector<1x512xf32>
    %div3A_36 = arith.divf %get3A_33, %div3A_35 : vector<1x512xf32>
    %add3A_37 = arith.constant 1.000000e-10 : f32
    %add3A_38 = vector.broadcast %add3A_37 : f32 to vector<1x8192xf32>
    %add3A_39 = arith.addf %div3A_30, %add3A_38 : vector<1x8192xf32>
    %log3A = math.log %add3A_39 : vector<1x8192xf32>
    %mul3A_40 = arith.mulf %div3A_30, %log3A : vector<1x8192xf32>
    %reduce_sum3A = vector.shape_cast %mul3A_40 : vector<1x8192xf32> to vector<1x1x8192xf32>
    %reduce_sum3A_41 = arith.constant dense<0.000000e+00> : vector<1xf32>
    %reduce_sum3A_42 = vector.multi_reduction <add>, %reduce_sum3A, %reduce_sum3A_41 [1, 2] : vector<1x1x8192xf32> to vector<1xf32>
    %reduce_sum3A_43 = vector.shape_cast %reduce_sum3A_42 : vector<1xf32> to vector<1x1x1xf32>
    %reduce_sum3A_44 = vector.extract %reduce_sum3A_43[0, 0, 0] : f32 from vector<1x1x1xf32>
    %add3A_45 = arith.constant 1.000000e-10 : f32
    %add3A_46 = vector.broadcast %add3A_45 : f32 to vector<1x512xf32>
    %add3A_47 = arith.addf %div3A_36, %add3A_46 : vector<1x512xf32>
    %log3A_48 = math.log %add3A_47 : vector<1x512xf32>
    %mul3A_49 = arith.mulf %div3A_36, %log3A_48 : vector<1x512xf32>
    %reduce_sum3A_50 = vector.shape_cast %mul3A_49 : vector<1x512xf32> to vector<1x1x512xf32>
    %reduce_sum3A_51 = arith.constant dense<0.000000e+00> : vector<1xf32>
    %reduce_sum3A_52 = vector.multi_reduction <add>, %reduce_sum3A_50, %reduce_sum3A_51 [1, 2] : vector<1x1x512xf32> to vector<1xf32>
    %reduce_sum3A_53 = vector.shape_cast %reduce_sum3A_52 : vector<1xf32> to vector<1x1x1xf32>
    %reduce_sum3A_54 = vector.extract %reduce_sum3A_53[0, 0, 0] : f32 from vector<1x1x1xf32>
    %neg3A = arith.constant 0.000000e+00 : f32
    %neg3A_55 = arith.subf %neg3A, %reduce_sum3A_44 : f32
    %exp3A = math.exp %neg3A_55 : f32
    %broadcast_in_dim3A_56 = vector.broadcast %exp3A : f32 to vector<1x1xf32>
    %swap3A_57 = arith.constant 0 : index
    %swap3A_58 = arith.constant 0 : index
    %swap3A_59 = vector.load %arg5[%swap3A_57, %swap3A_58] : memref<1x1xf32, #tpu.memory_space<vmem>>, vector<1x1xf32>
    tpu.vector_store %arg5[%swap3A_57, %swap3A_58], %broadcast_in_dim3A_56 {strides = array<i32>} : memref<1x1xf32, #tpu.memory_space<vmem>>, vector<1x1xf32>,
    %neg3A_60 = arith.constant 0.000000e+00 : f32
    %neg3A_61 = arith.subf %neg3A_60, %reduce_sum3A_54 : f32
    %exp3A_62 = math.exp %neg3A_61 : f32
    %broadcast_in_dim3A_63 = vector.broadcast %exp3A_62 : f32 to vector<1x1xf32>
    %swap3A_64 = arith.constant 0 : index
    %swap3A_65 = arith.constant 0 : index
    %swap3A_66 = vector.load %arg6[%swap3A_64, %swap3A_65] : memref<1x1xf32, #tpu.memory_space<vmem>>, vector<1x1xf32>
    tpu.vector_store %arg6[%swap3A_64, %swap3A_65], %broadcast_in_dim3A_63 {strides = array<i32>} : memref<1x1xf32, #tpu.memory_space<vmem>>, vector<1x1xf32>,
    return
  }
}

</mosaic_0001>

<sc_bundles>
// kernel: kernel.6.cloned.1.call-start
scs
__scs_entry_jumppad:
0x0: {  	(pc) =	sbr.rel $0x88, $3  }
0x1: {  	(tag) =	ssettag $0x0;
	lr =	simm.s32 $0x1  }
0x2: {  	[smem:$0x3F9E] =	sst lr;
	_ =	strace $0xD0000000  }
0x3: {  	_ = 	snop  }
0x4: {  	_ = 	snop  }
0x5: {  	_ = 	snop  }
0x6: {  	_ = 	snop  }
0x7: {  	_ = 	snop  }
__scs_overlays_trampoline_lowered:
0x8: {  	[smem:$0x3FAD] =	sst s0  }
0x9: {  	[smem:$0x3FAE] =	sst s1  }
0xa: {  	[smem:$0x3FAF] =	sst s2  }
0xb: {  	[smem:$0x3FB0] =	sst s3  }
0xc: {  	[smem:$0x3FB1] =	sst s4  }
0xd: {  	[smem:$0x3FB2] =	sst s5  }
0xe: {  	[smem:$0x3FB3] =	sst s6  }
0xf: {  	[smem:$0x3FB4] =	sst s7  }
0x10: {  	[smem:$0x3FB5] =	sst s8  }
0x11: {  	[smem:$0x3FB6] =	sst s9;
	s0 =	simm.s32 @!p0 $0x0  }
0x12: {  	s1 =	sld [smem:$0x3F9C];
	s0 =	simm.s32 @p0 $0x1  }
0x13: {  	[smem:$0x3FB7] =	sst s0;
	s0 =	simm.s32 @!p1 $0x0  }
0x14: {  	s2 =	sld [smem:$0x3F9B];
	s0 =	simm.s32 @p1 $0x1  }
0x15: {  	[smem:$0x3FB8] =	sst s0;
	s0 =	simm.s32 @!p2 $0x0  }
0x16: {  	s3 =	sld [smem:$0x3FDB];
	s0 =	simm.s32 @p2 $0x1  }
0x17: {  	s4 =	simm.s32 $0x1BF5;
	[smem:$0x3FBA] =	sst s0  }
0x18: {  	s0 =	sld [smem:$0x3F9D];
	_ =	swait.ge [sflag:s4], $0x0  }
0x19: {  	s7 =	sld [smem:$0x3F9E]  }
0x1a: {  	s8 =	sadd.s32 $0xFFFFE003, lr  }
0x1b: {  	s9 =	sadd.s32 $0xFFFFFEF7, lr;
	s5 =	simm.s32 $0xFFFFFFFF;
	p2 =	slt.u32 s8, $0xFFFFF086  }
0x1c: {  	p1 =	slt.u32 s9, $0xF7A;
	s5 =	simm.s32 @!p2 $0x0  }
0x1d: {  	s5 =	simm.s32 @p1 $0x1;
	p0 =	seq.s32 s7, s2  }
0x1e: {  	s7 =	smul.u32 @!p0 $0xF7A, s2;
	p2 =	seq.s32 @!p0 s5, $0x0  }
0x1f: {  	s9 =	smul.u32 $0xF7A, s1;
	s8 =	simm.s32 @!p0 $0x1BF5;
	p2 =	por !p2, p0  }
0x20: {  	[sflag:s8] =	ssyncset.s32 @!p0 $0xFFFFF086;
	s6 =	sadd.s32 @!p0 s3, s7;
	s7 =	simm.s32 @!p0 $0x108  }
0x21: {  	s3 =	sadd.s32 s3, s9;
	s6 =	sadd.s32 @!p0 $0x88, s6;
	s7 =	simm.s32 @p2 $0x1082  }
0x22: {  	[simem:s7], [sflag:s8] =	dma.local @!p0 [hbm:s6], $0xF7A  }
0x23: {  	s9 =	sor.u32 $0xD0000000, s2;
	s6 =	simm.s32 $0x108;
	_ =	swait.ge @!p0 [sflag:s8], $0x0  }
0x24: {  	s3 =	sadd.s32 $0x88, s3;
	s6 =	simm.s32 @!p1 $0x1082;
	[sflag:s4] =	ssyncset.s32 $0xFFFFF086  }
0x25: {  	[simem:s6], [sflag:s4] =	dma.local [hbm:s3], $0xF7A  }
0x26: {  	[smem:$0x3F9E] =	sst s1;
	(tag) =	ssettag s2;
	_ =	strace s9  }
0x27: {  	s1 =	sld [smem:$0x3FAE]  }
0x28: {  	s2 =	sld [smem:$0x3FAF]  }
0x29: {  	s4 =	sld [smem:$0x3FB1]  }
0x2a: {  	p0 =	seq.s32 s5, $0x0;
	s5 =	sld [smem:$0x3FB2]  }
0x2b: {  	s6 =	sld [smem:$0x3FB3]  }
0x2c: {  	s7 =	sld [smem:$0x3FB4]  }
0x2d: {  	s3 =	simm.s32 $0x108;
	s8 =	sld [smem:$0x3FB5]  }
0x2e: {  	s3 =	simm.s32 @!p0 $0x1082;
	s9 =	sld [smem:$0x3FB6]  }
0x2f: {  	lr =	sadd.s32 s0, s3;
	s0 =	sld [smem:$0x3FAD]  }
0x30: {  	s3 =	sld [smem:$0x3FB0]  }
0x31: {  	[smem:$0x3FB9] =	sst s10  }
0x32: {  	s10 =	sld [smem:$0x3FB7];
	_ =	sdelay $0x3  }
0x33: {  	p0 =	seq.s32 s10, $0x1;
	s10 =	sld [smem:$0x3FB9];
	_ =	sdelay $0x3  }
0x34: {  	[smem:$0x3FB9] =	sst s10  }
0x35: {  	s10 =	sld [smem:$0x3FB8];
	_ =	sdelay $0x3  }
0x36: {  	p1 =	seq.s32 s10, $0x1;
	s10 =	sld [smem:$0x3FB9];
	_ =	sdelay $0x3  }
0x37: {  	[smem:$0x3FB9] =	sst s10  }
0x38: {  	s10 =	sld [smem:$0x3FBA]  }
0x39: {  	_ = 	snop;
	(pc) =	sbr.ind lr, $3  }
0x3a: {  	_ = 	snop  }
0x3b: {  	_ = 	snop  }
0x3c: {  	p2 =	seq.s32 s10, $0x1;
	s10 =	sld [smem:$0x3FB9]  }
0x3d: {  	_ =	shalt  }
0x3e: {  	_ =	shalt  }
0x3f: {  	_ =	shalt  }
0x40: {  	_ =	shalt  }
0x41: {  	_ =	shalt  }
0x42: {  	_ =	shalt  }
0x43: {  	_ =	shalt  }
0x44: {  	_ =	shalt  }
0x45: {  	_ =	shalt  }
0x46: {  	_ =	shalt  }
0x47: {  	_ =	shalt  }
0x48: {  	_ =	shalt  }
0x49: {  	_ =	shalt  }
0x4a: {  	_ =	shalt  }
0x4b: {  	_ =	shalt  }
0x4c: {  	_ =	shalt  }
0x4d: {  	_ =	shalt  }
0x4e: {  	_ =	shalt  }
0x4f: {  	_ =	shalt  }
0x50: {  	_ =	shalt  }
0x51: {  	_ =	shalt  }
0x52: {  	_ =	shalt  }
0x53: {  	_ =	shalt  }
0x54: {  	_ =	shalt  }
0x55: {  	_ =	shalt  }
0x56: {  	_ =	shalt  }
0x57: {  	_ =	shalt  }
0x58: {  	_ =	shalt  }
0x59: {  	_ =	shalt  }
0x5a: {  	_ =	shalt  }
0x5b: {  	_ =	shalt  }
0x5c: {  	_ =	shalt  }
0x5d: {  	_ =	shalt  }
0x5e: {  	_ =	shalt  }
0x5f: {  	_ =	shalt  }
0x60: {  	_ =	shalt  }
0x61: {  	_ =	shalt  }
0x62: {  	_ =	shalt  }
0x63: {  	_ =	shalt  }
0x64: {  	_ =	shalt  }
0x65: {  	_ =	shalt  }
0x66: {  	_ =	shalt  }
0x67: {  	_ =	shalt  }
0x68: {  	_ =	shalt  }
0x69: {  	_ =	shalt  }
0x6a: {  	_ =	shalt  }
0x6b: {  	_ =	shalt  }
0x6c: {  	_ =	shalt  }
0x6d: {  	_ =	shalt  }
0x6e: {  	_ =	shalt  }
0x6f: {  	_ =	shalt  }
0x70: {  	_ =	shalt  }
0x71: {  	_ =	shalt  }
0x72: {  	_ =	shalt  }
0x73: {  	_ =	shalt  }
0x74: {  	_ =	shalt  }
0x75: {  	_ =	shalt  }
0x76: {  	_ =	shalt  }
0x77: {  	_ =	shalt  }
0x78: {  	_ =	shalt  }
0x79: {  	_ =	shalt  }
0x7a: {  	_ =	shalt  }
0x7b: {  	_ =	shalt  }
0x7c: {  	_ =	shalt  }
0x7d: {  	_ =	shalt  }
0x7e: {  	_ =	shalt  }
0x7f: {  	_ =	shalt  }
0x80: {  	_ =	shalt  }
0x81: {  	_ =	shalt  }
0x82: {  	_ =	shalt  }
0x83: {  	_ =	shalt  }
0x84: {  	_ =	shalt  }
0x85: {  	_ =	shalt  }
0x86: {  	_ =	shalt  }
0x87: {  	_ =	shalt  }
.Lfunc_end0:
.L_simem_size_0:
called_computation_lowered:
.L_overlay_start_0:
0x88: {  	s2 =	sld [smem:$0x3FD9]  }
0x89: {  	s3 =	sld [smem:$0x3FFE];
	_ =	sdelay $0x1  }
0x8a: {  	s1 =	srdreg.scid  }
0x8b: {  	s0 =	sand.u32 $0x1, s1  }
0x8c: {  	s14 =	sshll.u32 s0, $0xA;
	s2 =	sadd.s32 s3, s2  }
0x8d: {  	s2 =	sadd.s32 s2, s14  }
0x8e: {  	[smem:$0x3FC5] =	sst s2  }
0x8f: {  	_ = 	snop  }
0x90: {  	s2 =	sld [smem:$0x3FD0];
	_ =	sdelay $0x2  }
0x91: {  	s15 =	simm.s32 $0xA;
	s4 =	simm.s32 $0x10  }
0x92: {  	[smem:s4], [sflag:s15] =	dma.local [hbm:s2], $0x1  }
0x93: {  	_ =	swait.eq [sflag:s15], $0x1  }
0x94: {  	[sflag:s15] =	ssyncset.done $0x0  }
0x95: {  	[sflag:s15] =	ssyncadd.s32 $0xFFFFFFFF  }
0x96: {  	s16 =	sld [smem:$0x11];
	(tm) =	ssettm $0x1  }
0x97: {  	s17 =	sld [smem:$0x3FFB];
	_ =	sdelay $0x3  }
0x98: {  	_ =	strace s17  }
0x99: {  	s3 =	sld [smem:$0x3FFC];
	_ =	sdelay $0x3  }
0x9a: {  	_ =	strace s3  }
0x9b: {  	s3 =	sld [smem:$0x3FFD];
	_ =	sdelay $0x3  }
0x9c: {  	_ =	strace s3  }
0x9d: {  	_ =	strace $0x8FFFFFFF  }
0x9e: {  	s18 =	sld [smem:$0x3FDB];
	_ =	sdelay $0x1  }
0x9f: {  	s19 =	simm.s32 $_scs_section_size  }
0xa0: {  	s5 =	simm.s32 $_size__tile_overlayer_lowered;
	s6 =	simm.s32 $_tile_overlayer_lowered  }
0xa1: {  	s22 =	simm.s32 $0x1BFF;
	s21 =	sshll.u32 s6, $0x1;
	s3 =	sadd.s32 s19, s18  }
0xa2: {  	s7 =	simm.s32 $0x0;
	s20 =	sshll.u32 s5, $0x1;
	s5 =	sadd.s32 s21, s3  }
0xa3: {  	[timem:s7], [sflag:s22] =	dma.local [hbm:s5], s20  }
0xa4: {  	_ =	swait.ge [sflag:s22], s20  }
0xa5: {  	s4 =	ssub.s32 $0x0, s20;
	[sflag:s22] =	ssyncset.done $0x0  }
0xa6: {  	[sflag:s22] =	ssyncadd.s32 s4;
	_ =	sdelay $0x1  }
0xa7: {  	s23 =	simm.s32 $0x1B8B  }
0xa8: {  	_ =	swait.ge [sflag:s23], $0x1  }
0xa9: {  	[sflag:s23] =	ssyncset.done $0x0  }
0xaa: {  	s25 =	simm.s32 $0x1B8E;
	s24 =	sld [smem:$0x3FFE];
	[sflag:s23] =	ssyncadd.s32 $0xFFFFFFFF  }
0xab: {  	s26 =	simm.s32 $execute0_lowered;
	[smem:$0x3FD2] =	sst s25  }
0xac: {  	s5 =	sshll.u32 s26, $0x1;
	_ =	strace $0x80000046;
	[dreg:$0x1] =	wrdreg $0xFFFFFFFF  }
0xad: {  	s28 =	simm.s32 $_size_execute0_lowered;
	s3 =	sadd.s32 s3, s5;
	[dreg:$0x0] =	wrdreg $0x0  }
0xae: {  	s5 =	sshll.u32 s28, $0x1;
	[dreg:$0x2] =	wrdreg s3  }
0xaf: {  	[dreg:$0x3] =	wrdreg s5  }
0xb0: {  	[dreg:$0x4] =	wrdreg $0xC0  }
0xb1: {  	_ =	task [dreg:s7], $0x5FFFF  }
0xb2: {  	[dreg:$0x1] =	wrdreg $0xFFFFFFFF  }
0xb3: {  	[dreg:$0x0] =	wrdreg $0x60  }
0xb4: {  	[dreg:$0x2] =	wrdreg s16  }
0xb5: {  	[dreg:$0x3] =	wrdreg s24  }
0xb6: {  	[dreg:$0x4] =	wrdreg $0x148000  }
0xb7: {  	[dreg:$0x5] =	wrdreg $0x9  }
0xb8: {  	_ =	task.clear_ibuf [dreg:s7], $0x6FFFF;
	_ =	strace $0x90000046  }
0xb9: {  	s29 =	simm.s32 $0x9;
	_ =	strace $0x80000048  }
0xba: {  	_ =	swait.ge [sflag:s29], $0x1  }
0xbb: {  	[sflag:s29] =	ssyncadd.s32 $0xFFFFFFFF  }
0xbc: {  	_ =	strace $0x90000048  }
0xbd: {  	_ =	sfence  }
0xbe: {  	s30 =	sld [smem:$0x0];
	_ =	sdelay $0x2  }
0xbf: {  	s31 =	sshll.u32 s1, $0xD;
	s1 =	sshrl.u32 s1, $0x2  }
0xc0: {  	s3 =	sand.u32 $0x4000, s31;
	s1 =	sadd.s32 s1, s30  }
0xc1: {  	s0 =	sor.u32 s3, s0;
	s1 =	sshll.u32 s1, $0x11  }
0xc2: {  	s0 =	sor.u32 s1, s0  }
0xc3: {  	s0 =	sadd.s32 $0x8F2B, s0  }
0xc4: {  	[sflag:s0] =	ssyncadd.remote.s32 $0x1  }
0xc5: {  	_ =	sfence.sel $0xFFFF  }
0xc6: {  	[dreg:$0x0] =	wrdreg $0xFFFFFFFF;
	(pc) =	sbr.abs _section_cstart, $3  }
0xc7: {  	[dreg:$0x1] =	wrdreg $0xFFFFFFFF  }
0xc8: {  	_ =	task.clear_ibuf [dreg:s7], $0x2FFFF;
	_ =	strace $0x9FFFFFFF  }
0xc9: {  	(tm) =	ssettm $0x7FFFFFFF  }
tec
execute0_lowered:
.L_overlay_start_1:
0x0: {  	(tag) =	ssettag $0x1  }
0x1: {  	s4 =	rddreg [dreg:$0x0]  }
0x2: {  	s0 =	srdreg.scid;
	s17 =	rddreg [dreg:$0x1]  }
0x3: {  	s2 =	rddreg [dreg:$0x2];
	s22 =	sand.u32 $0x1, s0  }
0x4: {  	s0 =	stileid.u32;
	s5 =	smul.u32 $0x8800, s22  }
0x5: {  	s1 =	rddreg [dreg:$0x3];
	s3 =	simm.s32 $0x0;
	s6 =	smul.u32 $0x880, s0  }
0x6: {  	[smem:$0x7FF] =	sst s3  }
0x7: {  	_ =	strace $0x80000047;
	s7 =	smul.u32 $0x11000, s0;
	s5 =	sadd.s32 s6, s5  }
0x8: {  	s6 =	simm.s32 $0x10400;
	s4 =	sadd.s32 s4, s5;
	s5 =	simm.s32 $0x2  }
0x9: {  	[tilespmem:s6], [sflag:$0x2] =	stream.linear.gather [hbm4b:s4+s3], $0x4400, $0x38;
	[tilespmem:$0x18C00] =	vst v63  }
0xa: {  	_ =	swait.ge [sflag:s5], $0x4400  }
0xb: {  	s7 =	sshrl.u32 s7, $0x2;
	[sflag:s5] =	ssyncset.done $0x0  }
0xc: {  	s8 =	sadd.s32 $0x1600, s17;
	s7 =	sadd.s32 s7, s2;
	[sflag:s5] =	ssyncadd.s32 $0xFFFFBC00  }
0xd: {  	[spmem:s7] =	stream.linear.scatter [tilespmem:s6], [sflag:$0x2], $0x4400, $0x38;
	[tilespmem:$0x18C00] =	vst v63  }
0xe: {  	s9 =	sadd.s32 $0x1E00, s17;
	p0 =	seq.s32 s22, $0x0;
	_ =	swait.ge [sflag:s5], $0x4400  }
0xf: {  	s10 =	sshll.u32 s0, $0x7;
	s9 =	smov.u32 @p0 s8;
	[sflag:s5] =	ssyncset.done $0x0  }
0x10: {  	s8 =	sadd.s32 s9, s10;
	[sflag:s5] =	ssyncadd.s32 $0xFFFFBC00  }
0x11: {  	[tilespmem:s3], [sflag:$0x2] =	stream.linear.gather [hbm4b:s8+s3], $0x400, $0x38;
	[tilespmem:$0x18C00] =	vst v63  }
0x12: {  	_ =	swait.ge [sflag:s5], $0x400  }
0x13: {  	[sflag:s5] =	ssyncset.done $0x0  }
0x14: {  	[sflag:s5] =	ssyncadd.s32 $0xFFFFFC00  }
0x15: {  	s9 =	simm.s32 $0x80;
	s10 =	simm.s32 $0x400;
	[bflag:$0x0] =	sbarrier.arrive $0xFFFF  }
0x16: {  	[tilespmem:s10], [sflag:$0x1] =	stream.indirect.gather [spmem:s2], $0x80, s3, s9, $0xb8;
	[tilespmem:$0x18C00] =	vst v63  }
0x17: {  	s11 =	simm.s32 $0x4400  }
0x18: {  	[tilespmem:s11], [sflag:$0x1] =	stream.indirect.gather [spmem:s2], $0x80, s9, s9, $0xb8;
	[tilespmem:$0x18C00] =	vst v63  }
0x19: {  	s12 =	simm.s32 $0x100;
	s13 =	simm.s32 $0x8400  }
0x1a: {  	[tilespmem:s13], [sflag:$0x1] =	stream.indirect.gather [spmem:s2], $0x80, s12, s9, $0xb8;
	[tilespmem:$0x18C00] =	vst v63  }
0x1b: {  	s14 =	simm.s32 $0x180;
	s15 =	simm.s32 $0xC400;
	s16 =	simm.s32 $0x1  }
0x1c: {  	[tilespmem:s15], [sflag:$0x1] =	stream.indirect.gather [spmem:s2], $0x80, s14, s9, $0xb8;
	[tilespmem:$0x18C00] =	vst v63  }
0x1d: {  	_ =	swait.ge [sflag:s16], $0x4000  }
0x1e: {  	[sflag:s16] =	ssyncset.done $0x0  }
0x1f: {  	[sflag:s16] =	ssyncadd.s32 $0xFFFFC000  }
0x20: {  	_ =	swait.ge [sflag:s16], $0x4000  }
0x21: {  	[sflag:s16] =	ssyncset.done $0x0  }
0x22: {  	[sflag:s16] =	ssyncadd.s32 $0xFFFFC000  }
0x23: {  	_ =	swait.ge [sflag:s16], $0x4000  }
0x24: {  	[sflag:s16] =	ssyncset.done $0x0  }
0x25: {  	[sflag:s16] =	ssyncadd.s32 $0xFFFFC000  }
0x26: {  	s18 =	sadd.s32 $0x2600, s17;
	s17 =	sadd.s32 $0x42600, s17;
	_ =	swait.ge [sflag:s16], $0x4000  }
0x27: {  	s19 =	sshll.u32 s0, $0xE;
	s17 =	smov.u32 @p0 s18;
	[sflag:s16] =	ssyncset.done $0x0  }
0x28: {  	s17 =	sadd.s32 s17, s19;
	[sflag:s16] =	ssyncadd.s32 $0xFFFFC000  }
0x29: {  	[hbm4b:s17+s3] =	stream.linear.scatter [tilespmem:s10], [sflag:$0x2], $0x10000, $0x38;
	[tilespmem:$0x18C00] =	vst v63  }
0x2a: {  	_ =	swait.ge [sflag:s5], $0x10000  }
0x2b: {  	[sflag:s5] =	ssyncset.done $0x0  }
0x2c: {  	s18 =	simm.s32 $0x200;
	[sflag:s5] =	ssyncadd.s32 $0xFFFF0000  }
0x2d: {  	[tilespmem:s10], [sflag:$0x1] =	stream.indirect.gather [spmem:s2], $0x80, s18, s9, $0xb8;
	[tilespmem:$0x18C00] =	vst v63  }
0x2e: {  	s19 =	simm.s32 $0x280  }
0x2f: {  	[tilespmem:s11], [sflag:$0x1] =	stream.indirect.gather [spmem:s2], $0x80, s19, s9, $0xb8;
	[tilespmem:$0x18C00] =	vst v63  }
0x30: {  	s20 =	simm.s32 $0x300  }
0x31: {  	[tilespmem:s13], [sflag:$0x1] =	stream.indirect.gather [spmem:s2], $0x80, s20, s9, $0xb8;
	[tilespmem:$0x18C00] =	vst v63  }
0x32: {  	s21 =	simm.s32 $0x380  }
0x33: {  	[tilespmem:s15], [sflag:$0x1] =	stream.indirect.gather [spmem:s2], $0x80, s21, s9, $0xb8;
	[tilespmem:$0x18C00] =	vst v63  }
0x34: {  	_ =	swait.ge [sflag:s16], $0x4000  }
0x35: {  	[sflag:s16] =	ssyncset.done $0x0  }
0x36: {  	[sflag:s16] =	ssyncadd.s32 $0xFFFFC000  }
0x37: {  	_ =	swait.ge [sflag:s16], $0x4000  }
0x38: {  	[sflag:s16] =	ssyncset.done $0x0  }
0x39: {  	s22 =	ssub.s32 $0x2, s22;
	[sflag:s16] =	ssyncadd.s32 $0xFFFFC000  }
0x3a: {  	s23 =	sshrl.u32 s22, $0x1;
	_ =	swait.ge [sflag:s16], $0x4000  }
0x3b: {  	s22 =	ssub.s32 s22, s23;
	[sflag:s16] =	ssyncset.done $0x0  }
0x3c: {  	s23 =	smax.u32 s22, $0x1;
	[sflag:s16] =	ssyncadd.s32 $0xFFFFC000  }
0x3d: {  	p0 =	sne.s32 s23, $0x1;
	_ =	swait.ge [sflag:s16], $0x4000  }
.Ltmp0:
0x3e: {  	[sflag:s16] =	ssyncset.done $0x0;
	(pc) =	sbr.rel @!p0 .LBB2_2-.Ltmp0, $4  }
0x3f: {  	s22 =	sadd.s32 $0x2000, s17;
	[sflag:s16] =	ssyncadd.s32 $0xFFFFC000  }
0x40: {  	[hbm4b:s22+s3] =	stream.linear.scatter [tilespmem:s10], [sflag:$0x2], $0x10000, $0x38;
	[tilespmem:$0x18C00] =	vst v63  }
0x41: {  	_ =	swait.ge [sflag:s5], $0x10000  }
0x42: {  	s23 =	sadd.s32 $0xFFFFFFFF, s23;
	[sflag:s5] =	ssyncset.done $0x0  }
.LBB2_1:
0x43: {  	p0 =	sne.s32 s23, $0x1;
	s23 =	sadd.s32 $0xFFFFFFFF, s23;
	[sflag:s5] =	ssyncadd.s32 $0xFFFF0000  }
0x44: {  	[tilespmem:s6], [sflag:$0x2] =	stream.linear.gather [hbm4b:s4+s3], $0x4400, $0x38;
	[tilespmem:$0x18C00] =	vst v63  }
0x45: {  	_ =	swait.ge [sflag:s5], $0x4400  }
0x46: {  	[sflag:s5] =	ssyncset.done $0x0  }
0x47: {  	[sflag:s5] =	ssyncadd.s32 $0xFFFFBC00  }
0x48: {  	[spmem:s7] =	stream.linear.scatter [tilespmem:s6], [sflag:$0x2], $0x4400, $0x38;
	[tilespmem:$0x18C00] =	vst v63  }
0x49: {  	_ =	swait.ge [sflag:s5], $0x4400  }
0x4a: {  	[sflag:s5] =	ssyncset.done $0x0  }
0x4b: {  	[sflag:s5] =	ssyncadd.s32 $0xFFFFBC00  }
0x4c: {  	[tilespmem:s3], [sflag:$0x2] =	stream.linear.gather [hbm4b:s8+s3], $0x400, $0x38;
	[tilespmem:$0x18C00] =	vst v63  }
0x4d: {  	_ =	swait.ge [sflag:s5], $0x400  }
0x4e: {  	[sflag:s5] =	ssyncset.done $0x0  }
0x4f: {  	[sflag:s5] =	ssyncadd.s32 $0xFFFFFC00  }
0x50: {  	[bflag:$0x0] =	sbarrier.arrive $0xFFFF  }
0x51: {  	[tilespmem:s10], [sflag:$0x1] =	stream.indirect.gather [spmem:s2], $0x80, s3, s9, $0xb8;
	[tilespmem:$0x18C00] =	vst v63  }
0x52: {  	_ = 	snop  }
0x53: {  	[tilespmem:s11], [sflag:$0x1] =	stream.indirect.gather [spmem:s2], $0x80, s9, s9, $0xb8;
	[tilespmem:$0x18C00] =	vst v63  }
0x54: {  	_ = 	snop  }
0x55: {  	[tilespmem:s13], [sflag:$0x1] =	stream.indirect.gather [spmem:s2], $0x80, s12, s9, $0xb8;
	[tilespmem:$0x18C00] =	vst v63  }
0x56: {  	_ = 	snop  }
0x57: {  	[tilespmem:s15], [sflag:$0x1] =	stream.indirect.gather [spmem:s2], $0x80, s14, s9, $0xb8;
	[tilespmem:$0x18C00] =	vst v63  }
0x58: {  	_ =	swait.ge [sflag:s16], $0x4000  }
0x59: {  	[sflag:s16] =	ssyncset.done $0x0  }
0x5a: {  	[sflag:s16] =	ssyncadd.s32 $0xFFFFC000  }
0x5b: {  	_ =	swait.ge [sflag:s16], $0x4000  }
0x5c: {  	[sflag:s16] =	ssyncset.done $0x0  }
0x5d: {  	[sflag:s16] =	ssyncadd.s32 $0xFFFFC000  }
0x5e: {  	_ =	swait.ge [sflag:s16], $0x4000  }
0x5f: {  	[sflag:s16] =	ssyncset.done $0x0  }
0x60: {  	[sflag:s16] =	ssyncadd.s32 $0xFFFFC000  }
0x61: {  	_ =	swait.ge [sflag:s16], $0x4000  }
0x62: {  	[sflag:s16] =	ssyncset.done $0x0  }
0x63: {  	[sflag:s16] =	ssyncadd.s32 $0xFFFFC000  }
0x64: {  	[hbm4b:s17+s3] =	stream.linear.scatter [tilespmem:s10], [sflag:$0x2], $0x10000, $0x38;
	[tilespmem:$0x18C00] =	vst v63  }
0x65: {  	_ =	swait.ge [sflag:s5], $0x10000  }
0x66: {  	[sflag:s5] =	ssyncset.done $0x0  }
0x67: {  	[sflag:s5] =	ssyncadd.s32 $0xFFFF0000  }
0x68: {  	[tilespmem:s10], [sflag:$0x1] =	stream.indirect.gather [spmem:s2], $0x80, s18, s9, $0xb8;
	[tilespmem:$0x18C00] =	vst v63  }
0x69: {  	_ = 	snop  }
0x6a: {  	[tilespmem:s11], [sflag:$0x1] =	stream.indirect.gather [spmem:s2], $0x80, s19, s9, $0xb8;
	[tilespmem:$0x18C00] =	vst v63  }
0x6b: {  	_ = 	snop  }
0x6c: {  	[tilespmem:s13], [sflag:$0x1] =	stream.indirect.gather [spmem:s2], $0x80, s20, s9, $0xb8;
	[tilespmem:$0x18C00] =	vst v63  }
0x6d: {  	_ = 	snop  }
0x6e: {  	[tilespmem:s15], [sflag:$0x1] =	stream.indirect.gather [spmem:s2], $0x80, s21, s9, $0xb8;
	[tilespmem:$0x18C00] =	vst v63  }
0x6f: {  	_ =	swait.ge [sflag:s16], $0x4000  }
0x70: {  	[sflag:s16] =	ssyncset.done $0x0  }
0x71: {  	[sflag:s16] =	ssyncadd.s32 $0xFFFFC000  }
0x72: {  	_ =	swait.ge [sflag:s16], $0x4000  }
0x73: {  	[sflag:s16] =	ssyncset.done $0x0  }
0x74: {  	[sflag:s16] =	ssyncadd.s32 $0xFFFFC000  }
0x75: {  	_ =	swait.ge [sflag:s16], $0x4000  }
0x76: {  	[sflag:s16] =	ssyncset.done $0x0  }
0x77: {  	[sflag:s16] =	ssyncadd.s32 $0xFFFFC000  }
0x78: {  	_ =	swait.ge [sflag:s16], $0x4000  }
.Ltmp1:
0x79: {  	[sflag:s16] =	ssyncset.done $0x0;
	(pc) =	sbr.rel @p0 .LBB2_1-.Ltmp1, $4  }
0x7a: {  	[sflag:s16] =	ssyncadd.s32 $0xFFFFC000  }
0x7b: {  	[hbm4b:s22+s3] =	stream.linear.scatter [tilespmem:s10], [sflag:$0x2], $0x10000, $0x38;
	[tilespmem:$0x18C00] =	vst v63  }
0x7c: {  	_ =	swait.ge [sflag:s5], $0x10000  }
0x7d: {  	[sflag:s5] =	ssyncset.done $0x0  }
.LBB2_2:
0x7e: {  	[sflag:s5] =	ssyncadd.s32 $0xFFFF0000  }
0x7f: {  	_ =	sfence.sel $0x180000  }
0x80: {  	[bflag:$0x0] =	sbarrier.arrive $0xFFFF  }
0x81: {  	p0 =	sne.s32 s0, $0x0;
	_ =	strace $0x90000047  }
0x82: {  	s0 =	sadd.s32 @!p0 $0x100000, s1;
	[bflag:$0x2] =	sbarrier.arrive $0xFFFF  }
0x83: {  	[sflag:s0] =	ssyncadd.tile.s32 @!p0 $0x1;
	_ =	shalt  }
.Lfunc_end2:
_tile_overlayer_lowered:
.L_overlay_start_2:
0x84: {  	(tag) =	ssettag $0x2  }
0x85: {  	s0 =	rddreg [dreg:$0x0];
	s2 =	stileid.u32  }
0x86: {  	s1 =	rddreg [dreg:$0x1];
	p0 =	sne.s32 s2, $0x0  }
0x87: {  	s3 =	rddreg [dreg:$0x2];
	[bflag:$0x3] =	sbarrier.arrive $0xFFFF;
	s2 =	simm.s32 @!p0 $0x1C02  }
0x88: {  	[timem:s3], [sflag:s2] =	dma.local @!p0 [hbm:s0], s1  }
0x89: {  	s0 =	simm.s32 @!p0 $0x2  }
0x8a: {  	_ =	swait.ge @!p0 [sflag:s0], s1  }
0x8b: {  	s1 =	ssub.s32 @!p0 $0x0, s1;
	[sflag:s0] =	ssyncset.done @!p0 $0x0  }
0x8c: {  	[sflag:s0] =	ssyncadd.s32 @!p0 s1  }
0x8d: {  	[bflag:$0x3] =	sbarrier.arrive $0xFFFF  }
0x8e: {  	_ =	shalt  }

</sc_bundles>
